<compile_context>
chip_gen: v7x
topology: tpu7x:2x2x1
jax: 0.10.2.dev20260603
libtpu: 0.0.44.dev20260713+nightly
codegen_flags: <defaults>
</compile_context>

<pallas_src>
import functools

import jax
import jax.numpy as jnp
from jax.experimental import pallas as pl
from jax.experimental.pallas import tpu as pltpu
from jax.experimental.pallas import tpu_sc as plsc

E = 16
L = 1024
D = 1024
H = 512
K = 10
B = 1024

TB = 256
NT = B // TB
NITEMS = NT + E - 1
NEG = -jnp.inf

_SC_WORKERS = 32


def _dot(a, b):
    return jnp.dot(a, b, preferred_element_type=jnp.float32)


def _dotx(a, b):
    return jnp.dot(a, b, preferred_element_type=jnp.float32,
                   precision=jax.lax.Precision.HIGHEST)


def _sc_gather(table, ids):
    bn, dn = table.shape
    bpw = bn // _SC_WORKERS
    mesh = plsc.VectorSubcoreMesh(core_axis_name="c", subcore_axis_name="s")

    @functools.partial(
        pl.kernel, mesh=mesh,
        out_type=jax.ShapeDtypeStruct((bn, dn), table.dtype),
        scratch_types=[
            pltpu.VMEM((bpw,), jnp.int32),
            pltpu.VMEM((bpw, dn), table.dtype),
            pltpu.SemaphoreType.DMA,
        ],
    )
    def k(table_hbm, ids_hbm, out_hbm, ids_v, rows_v, sem):
        wid = jax.lax.axis_index("s") * 2 + jax.lax.axis_index("c")
        base = wid * bpw
        pltpu.sync_copy(ids_hbm.at[pl.ds(base, bpw)], ids_v)
        pltpu.async_copy(table_hbm.at[ids_v], rows_v, sem).wait()
        pltpu.sync_copy(rows_v, out_hbm.at[pl.ds(base, bpw)])

    return k(table, ids)


def _row_to_lane(colvec, rr, cc):
    n = colvec.shape[0]
    diag = jnp.where(rr == cc, colvec, 0.0)
    return _dotx(jnp.ones((1, n), jnp.float32), diag)


def _router_body(x_ref, w1_ref, b1_ref, w2_ref, b2_ref,
                 sid_ref, idx_ref, rls_ref, pos_ref, end0_ref,
                 ie_ref, it_ref, ilo_ref, ihi_ref):
    x = x_ref[...]
    h = jnp.maximum(_dot(x, w1_ref[...]) + b1_ref[...], 0.0)
    logits = _dot(h, w2_ref[...])[:, :E] + b2_ref[...]

    m = jnp.max(logits, axis=1, keepdims=True)
    lse = m + jnp.log(jnp.sum(jnp.exp(logits - m), axis=1, keepdims=True))
    ce = jax.lax.broadcasted_iota(jnp.int32, (B, E), 1)
    idx = jnp.min(jnp.where(logits == m, ce, E), axis=1, keepdims=True)
    idx_ref[...] = idx
    rls = m - lse

    oh = (ce == idx).astype(jnp.float32)
    counts = jnp.sum(oh, axis=0, keepdims=True)
    ree = jax.lax.broadcasted_iota(jnp.int32, (E, E), 0)
    cee = jax.lax.broadcasted_iota(jnp.int32, (E, E), 1)
    starts = _dotx(counts, (ree < cee).astype(jnp.float32))
    ends = starts + counts
    end0_ref[...] = counts[0:1, 0:1].astype(jnp.int32)

    rr = jax.lax.broadcasted_iota(jnp.int32, (B, B), 0)
    cc = jax.lax.broadcasted_iota(jnp.int32, (B, B), 1)
    idxf = idx.astype(jnp.float32)
    idx_row = _row_to_lane(idxf, rr, cc)
    eq = (idx_row == idxf) & (cc < rr)
    rank = jnp.sum(eq.astype(jnp.float32), axis=1, keepdims=True)
    start_i = jnp.sum(starts * oh, axis=1, keepdims=True)
    posf = start_i + rank
    pos_ref[...] = posf.astype(jnp.int32)

    pos_row = _row_to_lane(posf, rr, cc)
    hit = pos_row.astype(jnp.int32) == rr
    sid_ref[...] = jnp.sum(jnp.where(hit, cc, 0), axis=1, keepdims=True)
    rls_row = _row_to_lane(rls, rr, cc)
    rls_ref[...] = jnp.sum(jnp.where(hit, rls_row, 0.0), axis=1, keepdims=True)

    nf = E * NT
    fc = jax.lax.broadcasted_iota(jnp.int32, (nf, 1), 0)
    ec = fc // NT
    tc = fc - ec * NT
    ohe = (jax.lax.broadcasted_iota(jnp.int32, (nf, E), 1) == ec).astype(jnp.float32)
    st_c = jnp.sum(ohe * starts, axis=1, keepdims=True)
    en_c = jnp.sum(ohe * ends, axis=1, keepdims=True)
    lo_c = jnp.maximum(st_c, (tc * TB).astype(jnp.float32))
    hi_c = jnp.minimum(en_c, ((tc + 1) * TB).astype(jnp.float32))
    act_c = (lo_c < hi_c).astype(jnp.float32)

    rf = jax.lax.broadcasted_iota(jnp.int32, (nf, nf), 0)
    cf = jax.lax.broadcasted_iota(jnp.int32, (nf, nf), 1)
    act_row = _row_to_lane(act_c, rf, cf)
    cix_row = _dotx(act_row, (rf < cf).astype(jnp.float32))
    total = jnp.sum(act_c)

    selt = ((cix_row == rf.astype(jnp.float32)) & (act_row > 0.5)).astype(jnp.float32)
    vals = jnp.concatenate([ec.astype(jnp.float32), tc.astype(jnp.float32),
                            lo_c, hi_c], axis=1)
    items = _dotx(selt, vals)
    sc = jax.lax.broadcasted_iota(jnp.int32, (nf, 1), 0).astype(jnp.float32)
    last = jnp.sum(jnp.where(sc == total - 1.0, items, 0.0), axis=0, keepdims=True)
    pad = sc >= total
    ie_ref[...] = jnp.round(jnp.where(pad, last[0, 0], items[:, 0:1])).astype(jnp.int32)
    it_ref[...] = jnp.round(jnp.where(pad, last[0, 1], items[:, 1:2])).astype(jnp.int32)
    ilo_ref[...] = jnp.round(jnp.where(pad, 0.0, items[:, 2:3])).astype(jnp.int32)
    ihi_ref[...] = jnp.round(jnp.where(pad, 0.0, items[:, 3:4])).astype(jnp.int32)


def _expert_finish_body(ie_ref, it_ref, ilo_ref, ihi_ref, e0_ref,
                        sx_ref, w1_ref, b1_ref, w2_ref, b2_ref,
                        rls_ref, pos_ref, out_ref, fs_ref):
    i = pl.program_id(0)
    t = it_ref[i]
    lo = ilo_ref[i]
    hi = ihi_ref[i]

    @pl.when(lo < hi)
    def _compute():
        x = sx_ref[pl.ds(t * TB, TB), :]
        h = jnp.maximum(_dot(x, w1_ref[0]) + b1_ref[0], 0.0)
        le = _dot(h, w2_ref[0]) + b2_ref[0]
        g = t * TB + jax.lax.broadcasted_iota(jnp.int32, (TB, 1), 0)
        mask = (g >= lo) & (g < hi)
        cur = fs_ref[pl.ds(t * TB, TB), :]
        fs_ref[pl.ds(t * TB, TB), :] = jnp.where(mask, le, cur)

    @pl.when(i == NITEMS - 1)
    def _finish():
        l0 = fs_ref[...]
        m0 = jnp.max(l0, axis=1, keepdims=True)
        lse = m0 + jnp.log(jnp.sum(jnp.exp(l0 - m0), axis=1, keepdims=True))
        cols = jax.lax.broadcasted_iota(jnp.int32, (B, L), 1)

        lcur = l0
        vals, cands = [], []
        for _ in range(K + 1):
            mv = jnp.max(lcur, axis=1, keepdims=True)
            am = jnp.min(jnp.where(lcur == mv, cols, L), axis=1, keepdims=True)
            vals.append(mv)
            cands.append(am)
            lcur = jnp.where(cols == am, NEG, lcur)
        v11 = jnp.concatenate(vals, axis=1)
        c11 = jnp.concatenate(cands, axis=1)

        rowi = jax.lax.broadcasted_iota(jnp.int32, (B, 1), 0)
        inval = (rowi < e0_ref[0]) & (c11 == 0)
        j11 = jax.lax.broadcasted_iota(jnp.int32, (B, K + 1), 1)
        pinv = jnp.min(jnp.where(inval, j11, K + 1), axis=1, keepdims=True)
        j10 = jax.lax.broadcasted_iota(jnp.int32, (B, K), 1)
        shift = j10 >= pinv
        kept = jnp.where(shift, c11[:, 1:K + 1], c11[:, :K])
        keptv = jnp.where(shift, v11[:, 1:K + 1], v11[:, :K])
        olp = rls_ref[...] + (keptv - lse)

        ccb = jax.lax.broadcasted_iota(jnp.int32, (B, B), 1)
        u = (ccb == pos_ref[...]).astype(jnp.float32)
        payload = jnp.concatenate(
            [olp, kept.astype(jnp.float32),
             jnp.zeros((B, 12), jnp.float32)], axis=1)
        out_ref[...] = _dotx(u, payload)


@jax.jit
def kernel(state, root_W1, root_b1, root_W2, root_b2,
           exp_W1, exp_b1, exp_W2, exp_b2):
    f32 = jnp.float32
    i32 = jnp.int32
    nf = E * NT

    router = pl.pallas_call(
        _router_body,
        out_shape=(
            jax.ShapeDtypeStruct((B, 1), i32),
            jax.ShapeDtypeStruct((B, 1), i32),
            jax.ShapeDtypeStruct((B, 1), f32),
            jax.ShapeDtypeStruct((B, 1), i32),
            jax.ShapeDtypeStruct((1, 1), i32),
            jax.ShapeDtypeStruct((nf, 1), i32),
            jax.ShapeDtypeStruct((nf, 1), i32),
            jax.ShapeDtypeStruct((nf, 1), i32),
            jax.ShapeDtypeStruct((nf, 1), i32),
        ),
    )
    root_W2p = jnp.concatenate(
        [root_W2, jnp.zeros((H, 128 - E), f32)], axis=1)
    sid, idx, rls, pos, end0, ie, it, ilo, ihi = router(
        state, root_W1, root_b1.reshape(1, H), root_W2p, root_b2.reshape(1, E))
    sx = _sc_gather(state, sid.reshape(B))

    fused = pl.pallas_call(
        _expert_finish_body,
        grid_spec=pltpu.PrefetchScalarGridSpec(
            num_scalar_prefetch=5,
            grid=(NITEMS,),
            in_specs=[
                pl.BlockSpec((B, D), lambda i, *_: (0, 0)),
                pl.BlockSpec((1, D, H), lambda i, ie, it, lo, hi, e0: (ie[i], 0, 0)),
                pl.BlockSpec((1, 1, H), lambda i, ie, it, lo, hi, e0: (ie[i], 0, 0)),
                pl.BlockSpec((1, H, L), lambda i, ie, it, lo, hi, e0: (ie[i], 0, 0)),
                pl.BlockSpec((1, 1, L), lambda i, ie, it, lo, hi, e0: (ie[i], 0, 0)),
                pl.BlockSpec((B, 1), lambda i, *_: (0, 0)),
                pl.BlockSpec((B, 1), lambda i, *_: (0, 0)),
            ],
            out_specs=pl.BlockSpec((B, 32), lambda i, *_: (0, 0)),
            scratch_shapes=[pltpu.VMEM((B, L), f32)],
        ),
        out_shape=jax.ShapeDtypeStruct((B, 32), f32),
    )
    payload = fused(ie[:NITEMS, 0], it[:NITEMS, 0], ilo[:NITEMS, 0],
                    ihi[:NITEMS, 0], end0.reshape(1), sx,
                    exp_W1, exp_b1.reshape(E, 1, H),
                    exp_W2, exp_b2.reshape(E, 1, L),
                    rls, pos)

    out_lp = payload[:, :K]
    leaf = jnp.round(payload[:, K:2 * K]).astype(i32)
    branch = jnp.broadcast_to(idx, (B, K))
    trajectories = jnp.stack([branch, leaf], axis=-1)
    return trajectories, out_lp

# --- scband reference (transcript-rebuilt; emitter-appended) ---
"""Pipeline reference for scband-tree-agent-46145128628802 (READ-ONLY COPY).

The authoritative reference and input builder live on the scoring server;
editing this copy changes nothing except your own understanding.
"""

import jax, jax.numpy as jnp
import numpy as np

E = 16        # number of first-level tree branches (experts)
L = 1024      # leaves (items) per branch
D = 1024      # state_size
H = 512       # hidden dim of FeedforwardNetwork
K = 10        # output_list_size
B = 1024      # batch of states


def setup_inputs(seed: int = 0) -> dict:
    key = jax.random.key(seed)
    ks = jax.random.split(key, 5)
    state = jax.random.normal(ks[0], (B, D), dtype=jnp.float32)
    root_W1 = jax.random.normal(ks[1], (D, H), dtype=jnp.float32) / np.sqrt(D)
    root_b1 = jnp.zeros((H,), dtype=jnp.float32)
    root_W2 = jax.random.normal(ks[2], (H, E), dtype=jnp.float32) / np.sqrt(H)
    root_b2 = jnp.zeros((E,), dtype=jnp.float32)
    exp_W1 = jax.random.normal(ks[3], (E, D, H), dtype=jnp.float32) / np.sqrt(D)
    exp_b1 = jnp.zeros((E, H), dtype=jnp.float32)
    exp_W2 = jax.random.normal(ks[4], (E, H, L), dtype=jnp.float32) / np.sqrt(H)
    exp_b2 = jnp.zeros((E, L), dtype=jnp.float32)
    return {"state": state, "root_W1": root_W1, "root_b1": root_b1,
            "root_W2": root_W2, "root_b2": root_b2, "exp_W1": exp_W1,
            "exp_b1": exp_b1, "exp_W2": exp_W2, "exp_b2": exp_b2}


def _ffn(x, W1, b1, W2, b2):
    return jax.nn.relu(x @ W1 + b1) @ W2 + b2


def reference(state, root_W1, root_b1, root_W2, root_b2,
              exp_W1, exp_b1, exp_W2, exp_b2):
    # root policy (deterministic=True path): top-1 branch + its log-prob
    logits = _ffn(state, root_W1, root_b1, root_W2, root_b2)      # [B, E]
    idx = jnp.argmax(logits, axis=-1)                              # topk(1).indices
    root_lp = jax.nn.log_softmax(logits, axis=-1)
    root_lp_sel = jnp.take_along_axis(root_lp, idx[:, None], axis=1)  # [B, 1]

    # second-level policy: run each branch FFN, keep the routed one per state
    final_logits = jnp.zeros((state.shape[0], L), dtype=state.dtype)
    for e in range(E):
        le = _ffn(state, exp_W1[e], exp_b1[e], exp_W2[e], exp_b2[e])   # [B, L]
        final_logits = jnp.where((idx == e)[:, None], le, final_logits)
    final_lp = jax.nn.log_softmax(final_logits, axis=-1)

    # deterministic top-(k+1), then drop leaf 0 when routed to branch 0
    # (the zero-trajectory filter), keep first k in original top-k order
    _, topkp1 = jax.lax.top_k(final_logits, K + 1)                 # [B, K+1]
    invalid = (idx[:, None] == 0) & (topkp1 == 0)
    perm = jnp.argsort(invalid.astype(jnp.int32), axis=-1)        # stable: valid first
    kept = jnp.take_along_axis(topkp1, perm, axis=-1)[:, :K]      # [B, K]

    sel_lp = jnp.take_along_axis(final_lp, kept, axis=-1)          # [B, K]
    out_lp = root_lp_sel + sel_lp                                  # [B, K]
    trajectories = jnp.stack(
        [jnp.broadcast_to(idx[:, None], kept.shape), kept], axis=-1)  # [B, K, 2]
    return trajectories, out_lp

if __name__ == "__main__":
    import jax
    _d = setup_inputs()
    print(jax.jit(kernel)(*tuple(_d.values())))

</pallas_src>

<mosaic_0001>
#map = affine_map<(d0, d1) -> (0, 0)>
#map1 = affine_map<(d0, d1) -> (0)>
module attributes {stable_mosaic.version = 14 : i64} {
  func.func @k(%arg0: i32, %arg1: i32, %arg2: memref<1024x1024xf32, #tpu.memory_space<hbm>>, %arg3: memref<1024xi32, #tpu.memory_space<hbm>>, %arg4: memref<1024x1024xf32, #tpu.memory_space<hbm>>, %arg5: memref<32xi32, #tpu.memory_space<vmem>>, %arg6: memref<32x1024xf32, #tpu.memory_space<vmem>>, %arg7: memref<!tpu.dma_semaphore, #tpu.memory_space<semaphore_mem>>) attributes {dimension_semantics = [#tpu.dimension_semantics<core_parallel>, #tpu.dimension_semantics<subcore_parallel>], iteration_bounds = array<i64: 2, 16>, scalar_prefetch = 0 : i64, scratch_operands = 3 : i64, tpu.core_type = #tpu.core_type<sc_vector_subcore>, window_params = [{transform_indices = #map}, {transform_indices = #map1}, {transform_indices = #map}]} {
    %mul3A = arith.constant 2 : i32
    %mul3A_0 = arith.muli %arg1, %mul3A : i32
    %add3A = arith.addi %mul3A_0, %arg0 : i32
    %mul3A_1 = arith.constant 32 : i32
    %mul3A_2 = arith.muli %add3A, %mul3A_1 : i32
    "tpu.region"() ({
      %run_scoped3A = tpu.sem_alloc : memref<!tpu.dma_semaphore, #tpu.memory_space<semaphore_mem>>
      %dma_start3A_7 = tpu.memref_slice %arg3[%mul3A_2] : memref<1024xi32, #tpu.memory_space<hbm>> -> memref<32xi32, #tpu.memory_space<hbm>>
      %dma_start3A_8 = tpu.memref_slice %arg3[%mul3A_2] : memref<1024xi32, #tpu.memory_space<hbm>> -> memref<32xi32, #tpu.memory_space<hbm>>
      tpu.enqueue_dma source(%dma_start3A_8 : memref<32xi32, #tpu.memory_space<hbm>>) target(%arg5 : memref<32xi32, #tpu.memory_space<vmem>>) target_semaphore(%run_scoped3A : memref<!tpu.dma_semaphore, #tpu.memory_space<semaphore_mem>>)
      %dma_wait3A_9 = tpu.memref_slice %arg3[%mul3A_2] : memref<1024xi32, #tpu.memory_space<hbm>> -> memref<32xi32, #tpu.memory_space<hbm>>
      %dma_wait3A_10 = tpu.memref_slice %arg3[%mul3A_2] : memref<1024xi32, #tpu.memory_space<hbm>> -> memref<32xi32, #tpu.memory_space<hbm>>
      tpu.wait_dma2 semaphore(%run_scoped3A : memref<!tpu.dma_semaphore, #tpu.memory_space<semaphore_mem>>) src(%dma_wait3A_10 : memref<32xi32, #tpu.memory_space<hbm>>) dst(%arg5 : memref<32xi32, #tpu.memory_space<vmem>>)
      tpu.yield
    }) : () -> ()
    %dma_start3A = arith.constant 0 : i32
    %dma_start3A_3 = arith.constant 0 : i32
    %dma_start3A_4 = tpu.memref_slice %arg2[%dma_start3A, %dma_start3A_3] : memref<1024x1024xf32, #tpu.memory_space<hbm>> -> memref<1024x1024xf32, #tpu.memory_space<hbm>>
    tpu.enqueue_indirect_dma source(%dma_start3A_4 : memref<1024x1024xf32, #tpu.memory_space<hbm>>) target(%arg6 : memref<32x1024xf32, #tpu.memory_space<vmem>>) offsets(%arg5 : memref<32xi32, #tpu.memory_space<vmem>>) semaphore(%arg7 : memref<!tpu.dma_semaphore, #tpu.memory_space<semaphore_mem>>)
    %dma_wait3A = arith.constant 0 : i32
    %dma_wait3A_5 = arith.constant 0 : i32
    %dma_wait3A_6 = tpu.memref_slice %arg2[%dma_wait3A, %dma_wait3A_5] : memref<1024x1024xf32, #tpu.memory_space<hbm>> -> memref<1024x1024xf32, #tpu.memory_space<hbm>>
    tpu.wait_indirect_dma semaphore(%arg7 : memref<!tpu.dma_semaphore, #tpu.memory_space<semaphore_mem>>) src(%dma_wait3A_6 : memref<1024x1024xf32, #tpu.memory_space<hbm>>) dst(%arg6 : memref<32x1024xf32, #tpu.memory_space<vmem>>)
    "tpu.region"() ({
      %run_scoped3A = tpu.sem_alloc : memref<!tpu.dma_semaphore, #tpu.memory_space<semaphore_mem>>
      %dma_start3A_7 = arith.constant 0 : i32
      %dma_start3A_8 = tpu.memref_slice %arg4[%mul3A_2, %dma_start3A_7] : memref<1024x1024xf32, #tpu.memory_space<hbm>> -> memref<32x1024xf32, #tpu.memory_space<hbm>>
      %dma_start3A_9 = arith.constant 0 : i32
      %dma_start3A_10 = tpu.memref_slice %arg4[%mul3A_2, %dma_start3A_9] : memref<1024x1024xf32, #tpu.memory_space<hbm>> -> memref<32x1024xf32, #tpu.memory_space<hbm>>
      tpu.enqueue_dma source(%arg6 : memref<32x1024xf32, #tpu.memory_space<vmem>>) target(%dma_start3A_10 : memref<32x1024xf32, #tpu.memory_space<hbm>>) target_semaphore(%run_scoped3A : memref<!tpu.dma_semaphore, #tpu.memory_space<semaphore_mem>>)
      %dma_wait3A_11 = arith.constant 0 : i32
      %dma_wait3A_12 = tpu.memref_slice %arg4[%mul3A_2, %dma_wait3A_11] : memref<1024x1024xf32, #tpu.memory_space<hbm>> -> memref<32x1024xf32, #tpu.memory_space<hbm>>
      %dma_wait3A_13 = arith.constant 0 : i32
      %dma_wait3A_14 = tpu.memref_slice %arg4[%mul3A_2, %dma_wait3A_13] : memref<1024x1024xf32, #tpu.memory_space<hbm>> -> memref<32x1024xf32, #tpu.memory_space<hbm>>
      tpu.wait_dma2 semaphore(%run_scoped3A : memref<!tpu.dma_semaphore, #tpu.memory_space<semaphore_mem>>) src(%arg6 : memref<32x1024xf32, #tpu.memory_space<vmem>>) dst(%dma_wait3A_14 : memref<32x1024xf32, #tpu.memory_space<hbm>>)
      tpu.yield
    }) : () -> ()
    return
  }
}

module attributes {stable_mosaic.version = 14 : i64} {
  func.func @_router_body(%arg0: memref<1024x1024xf32, #tpu.memory_space<vmem>>, %arg1: memref<1024x512xf32, #tpu.memory_space<vmem>>, %arg2: memref<1x512xf32, #tpu.memory_space<vmem>>, %arg3: memref<512x128xf32, #tpu.memory_space<vmem>>, %arg4: memref<1x16xf32, #tpu.memory_space<vmem>>, %arg5: memref<1024x1xi32, #tpu.memory_space<vmem>>, %arg6: memref<1024x1xi32, #tpu.memory_space<vmem>>, %arg7: memref<1024x1xf32, #tpu.memory_space<vmem>>, %arg8: memref<1024x1xi32, #tpu.memory_space<vmem>>, %arg9: memref<1x1xi32, #tpu.memory_space<vmem>>, %arg10: memref<64x1xi32, #tpu.memory_space<vmem>>, %arg11: memref<64x1xi32, #tpu.memory_space<vmem>>, %arg12: memref<64x1xi32, #tpu.memory_space<vmem>>, %arg13: memref<64x1xi32, #tpu.memory_space<vmem>>) attributes {dimension_semantics = [], scalar_prefetch = 0 : i64, scratch_operands = 0 : i64, tpu.core_type = #tpu.core_type<tc>} {
    %get3A = arith.constant 0 : index
    %get3A_0 = arith.constant 0 : index
    %get3A_1 = vector.load %arg0[%get3A, %get3A_0] : memref<1024x1024xf32, #tpu.memory_space<vmem>>, vector<1024x1024xf32>
    %get3A_2 = arith.constant 0 : index
    %get3A_3 = arith.constant 0 : index
    %get3A_4 = vector.load %arg1[%get3A_2, %get3A_3] : memref<1024x512xf32, #tpu.memory_space<vmem>>, vector<1024x512xf32>
    %dot_general3A = arith.constant dense<0.000000e+00> : vector<1024x512xf32>
    %dot_general3A_5 = tpu.matmul %get3A_1, %get3A_4, %dot_general3A {dimension_numbers = #tpu.dot_dimension_numbers<[1], [0], [0], [1], [0, 0, 1, 1], [], []>, transpose_lhs_hint = false} : vector<1024x1024xf32>, vector<1024x512xf32>, vector<1024x512xf32> -> vector<1024x512xf32>
    %get3A_6 = arith.constant 0 : index
    %get3A_7 = arith.constant 0 : index
    %get3A_8 = vector.load %arg2[%get3A_6, %get3A_7] : memref<1x512xf32, #tpu.memory_space<vmem>>, vector<1x512xf32>
    %add3A = vector.broadcast %get3A_8 : vector<1x512xf32> to vector<1024x512xf32>
    %add3A_9 = arith.addf %dot_general3A_5, %add3A : vector<1024x512xf32>
    %max3A = arith.constant 0.000000e+00 : f32
    %max3A_10 = vector.broadcast %max3A : f32 to vector<1024x512xf32>
    %max3A_11 = arith.maximumf %add3A_9, %max3A_10 : vector<1024x512xf32>
    %get3A_12 = arith.constant 0 : index
    %get3A_13 = arith.constant 0 : index
    %get3A_14 = vector.load %arg3[%get3A_12, %get3A_13] : memref<512x128xf32, #tpu.memory_space<vmem>>, vector<512x128xf32>
    %dot_general3A_15 = arith.constant dense<0.000000e+00> : vector<1024x128xf32>
    %dot_general3A_16 = tpu.matmul %max3A_11, %get3A_14, %dot_general3A_15 {dimension_numbers = #tpu.dot_dimension_numbers<[1], [0], [0], [1], [0, 0, 1, 1], [], []>, transpose_lhs_hint = false} : vector<1024x512xf32>, vector<512x128xf32>, vector<1024x128xf32> -> vector<1024x128xf32>
    %slice3A = vector.extract_strided_slice %dot_general3A_16 {offsets = [0, 0], sizes = [1024, 16], strides = [1, 1]} : vector<1024x128xf32> to vector<1024x16xf32>
    %get3A_17 = arith.constant 0 : index
    %get3A_18 = arith.constant 0 : index
    %get3A_19 = vector.load %arg4[%get3A_17, %get3A_18] : memref<1x16xf32, #tpu.memory_space<vmem>>, vector<1x16xf32>
    %add3A_20 = vector.broadcast %get3A_19 : vector<1x16xf32> to vector<1024x16xf32>
    %add3A_21 = arith.addf %slice3A, %add3A_20 : vector<1024x16xf32>
    %reduce_max3A = arith.constant dense<0xFF800000> : vector<1024xf32>
    %reduce_max3A_22 = vector.multi_reduction <maximumf>, %add3A_21, %reduce_max3A [1] : vector<1024x16xf32> to vector<1024xf32>
    %broadcast_in_dim3A = vector.shape_cast %reduce_max3A_22 : vector<1024xf32> to vector<1024x1xf32>
    %sub3A = vector.broadcast %broadcast_in_dim3A : vector<1024x1xf32> to vector<1024x16xf32>
    %sub3A_23 = arith.subf %add3A_21, %sub3A : vector<1024x16xf32>
    %exp3A = math.exp %sub3A_23 : vector<1024x16xf32>
    %reduce_sum3A = arith.constant dense<0.000000e+00> : vector<1024xf32>
    %reduce_sum3A_24 = vector.multi_reduction <add>, %exp3A, %reduce_sum3A [1] : vector<1024x16xf32> to vector<1024xf32>
    %broadcast_in_dim3A_25 = vector.shape_cast %reduce_sum3A_24 : vector<1024xf32> to vector<1024x1xf32>
    %log3A = math.log %broadcast_in_dim3A_25 : vector<1024x1xf32>
    %add3A_26 = arith.addf %broadcast_in_dim3A, %log3A : vector<1024x1xf32>
    %iota3A = tpu.iota {dimensions = array<i32: 1>} : vector<1024x16xi32>
    %eq3A = vector.broadcast %broadcast_in_dim3A : vector<1024x1xf32> to vector<1024x16xf32>
    %eq3A_27 = arith.cmpf oeq, %add3A_21, %eq3A : vector<1024x16xf32>
    %jit3A = arith.constant 16 : i32
    %broadcast_in_dim3A_28 = vector.broadcast %jit3A : i32 to vector<1024x16xi32>
    %select_n3A = arith.select %eq3A_27, %iota3A, %broadcast_in_dim3A_28 : vector<1024x16xi1>, vector<1024x16xi32>
    %reduce_min3A = arith.constant dense<2147483647> : vector<1024xi32>
    %reduce_min3A_29 = vector.multi_reduction <minsi>, %select_n3A, %reduce_min3A [1] : vector<1024x16xi32> to vector<1024xi32>
    %broadcast_in_dim3A_30 = vector.shape_cast %reduce_min3A_29 : vector<1024xi32> to vector<1024x1xi32>
    %swap3A = arith.constant 0 : index
    %swap3A_31 = arith.constant 0 : index
    %swap3A_32 = vector.load %arg6[%swap3A, %swap3A_31] : memref<1024x1xi32, #tpu.memory_space<vmem>>, vector<1024x1xi32>
    tpu.vector_store %arg6[%swap3A, %swap3A_31], %broadcast_in_dim3A_30 {strides = array<i32>} : memref<1024x1xi32, #tpu.memory_space<vmem>>, vector<1024x1xi32>,
    %sub3A_33 = arith.subf %broadcast_in_dim3A, %add3A_26 : vector<1024x1xf32>
    %eq3A_34 = vector.broadcast %broadcast_in_dim3A_30 : vector<1024x1xi32> to vector<1024x16xi32>
    %eq3A_35 = arith.cmpi eq, %iota3A, %eq3A_34 : vector<1024x16xi32>
    %convert_element_type3A = arith.extui %eq3A_35 : vector<1024x16xi1> to vector<1024x16xi32>
    %convert_element_type3A_36 = arith.sitofp %convert_element_type3A : vector<1024x16xi32> to vector<1024x16xf32>
    %reduce_sum3A_37 = arith.constant dense<0.000000e+00> : vector<16xf32>
    %reduce_sum3A_38 = vector.multi_reduction <add>, %convert_element_type3A_36, %reduce_sum3A_37 [0] : vector<1024x16xf32> to vector<16xf32>
    %broadcast_in_dim3A_39 = vector.shape_cast %reduce_sum3A_38 : vector<16xf32> to vector<1x16xf32>
    %iota3A_40 = tpu.iota {dimensions = array<i32: 0>} : vector<16x16xi32>
    %iota3A_41 = tpu.iota {dimensions = array<i32: 1>} : vector<16x16xi32>
    %lt3A = arith.cmpi slt, %iota3A_40, %iota3A_41 : vector<16x16xi32>
    %convert_element_type3A_42 = arith.extui %lt3A : vector<16x16xi1> to vector<16x16xi32>
    %convert_element_type3A_43 = arith.sitofp %convert_element_type3A_42 : vector<16x16xi32> to vector<16x16xf32>
    %dot_general3A_44 = arith.constant dense<0.000000e+00> : vector<1x16xf32>
    %dot_general3A_45 = tpu.matmul %broadcast_in_dim3A_39, %convert_element_type3A_43, %dot_general3A_44 {dimension_numbers = #tpu.dot_dimension_numbers<[1], [0], [0], [1], [0, 0, 1, 1], [], []>, precision = #tpu.contract_precision<fp32>, transpose_lhs_hint = false} : vector<1x16xf32>, vector<16x16xf32>, vector<1x16xf32> -> vector<1x16xf32>
    %add3A_46 = arith.addf %dot_general3A_45, %broadcast_in_dim3A_39 : vector<1x16xf32>
    %slice3A_47 = vector.extract_strided_slice %broadcast_in_dim3A_39 {offsets = [0, 0], sizes = [1, 1], strides = [1, 1]} : vector<1x16xf32> to vector<1x1xf32>
    %convert_element_type3A_48 = arith.fptosi %slice3A_47 : vector<1x1xf32> to vector<1x1xi32>
    %swap3A_49 = arith.constant 0 : index
    %swap3A_50 = arith.constant 0 : index
    %swap3A_51 = vector.load %arg9[%swap3A_49, %swap3A_50] : memref<1x1xi32, #tpu.memory_space<vmem>>, vector<1x1xi32>
    tpu.vector_store %arg9[%swap3A_49, %swap3A_50], %convert_element_type3A_48 {strides = array<i32>} : memref<1x1xi32, #tpu.memory_space<vmem>>, vector<1x1xi32>,
    %iota3A_52 = tpu.iota {dimensions = array<i32: 0>} : vector<1024x1024xi32>
    %iota3A_53 = tpu.iota {dimensions = array<i32: 1>} : vector<1024x1024xi32>
    %convert_element_type3A_54 = arith.sitofp %broadcast_in_dim3A_30 : vector<1024x1xi32> to vector<1024x1xf32>
    %eq3A_55 = arith.cmpi eq, %iota3A_52, %iota3A_53 : vector<1024x1024xi32>
    %jit3A_56 = arith.constant 0.000000e+00 : f32
    %broadcast_in_dim3A_57 = vector.shape_cast %convert_element_type3A_54 : vector<1024x1xf32> to vector<1024x1xf32>
    %broadcast_in_dim3A_58 = vector.broadcast %broadcast_in_dim3A_57 : vector<1024x1xf32> to vector<1024x1024xf32>
    %broadcast_in_dim3A_59 = vector.broadcast %jit3A_56 : f32 to vector<1024x1024xf32>
    %select_n3A_60 = arith.select %eq3A_55, %broadcast_in_dim3A_58, %broadcast_in_dim3A_59 : vector<1024x1024xi1>, vector<1024x1024xf32>
    %broadcast_in_dim3A_61 = arith.constant 1.000000e+00 : f32
    %broadcast_in_dim3A_62 = vector.broadcast %broadcast_in_dim3A_61 : f32 to vector<1x1024xf32>
    %dot_general3A_63 = arith.constant dense<0.000000e+00> : vector<1x1024xf32>
    %dot_general3A_64 = tpu.matmul %broadcast_in_dim3A_62, %select_n3A_60, %dot_general3A_63 {dimension_numbers = #tpu.dot_dimension_numbers<[1], [0], [0], [1], [0, 0, 1, 1], [], []>, precision = #tpu.contract_precision<fp32>, transpose_lhs_hint = false} : vector<1x1024xf32>, vector<1024x1024xf32>, vector<1x1024xf32> -> vector<1x1024xf32>
    %eq3A_65 = vector.broadcast %dot_general3A_64 : vector<1x1024xf32> to vector<1024x1024xf32>
    %eq3A_66 = vector.broadcast %convert_element_type3A_54 : vector<1024x1xf32> to vector<1024x1024xf32>
    %eq3A_67 = arith.cmpf oeq, %eq3A_65, %eq3A_66 : vector<1024x1024xf32>
    %lt3A_68 = arith.cmpi slt, %iota3A_53, %iota3A_52 : vector<1024x1024xi32>
    %and3A = arith.andi %eq3A_67, %lt3A_68 : vector<1024x1024xi1>
    %convert_element_type3A_69 = arith.extui %and3A : vector<1024x1024xi1> to vector<1024x1024xi32>
    %convert_element_type3A_70 = arith.sitofp %convert_element_type3A_69 : vector<1024x1024xi32> to vector<1024x1024xf32>
    %reduce_sum3A_71 = arith.constant dense<0.000000e+00> : vector<1024xf32>
    %reduce_sum3A_72 = vector.multi_reduction <add>, %convert_element_type3A_70, %reduce_sum3A_71 [1] : vector<1024x1024xf32> to vector<1024xf32>
    %broadcast_in_dim3A_73 = vector.shape_cast %reduce_sum3A_72 : vector<1024xf32> to vector<1024x1xf32>
    %mul3A = vector.broadcast %dot_general3A_45 : vector<1x16xf32> to vector<1024x16xf32>
    %mul3A_74 = arith.mulf %mul3A, %convert_element_type3A_36 : vector<1024x16xf32>
    %reduce_sum3A_75 = arith.constant dense<0.000000e+00> : vector<1024xf32>
    %reduce_sum3A_76 = vector.multi_reduction <add>, %mul3A_74, %reduce_sum3A_75 [1] : vector<1024x16xf32> to vector<1024xf32>
    %broadcast_in_dim3A_77 = vector.shape_cast %reduce_sum3A_76 : vector<1024xf32> to vector<1024x1xf32>
    %add3A_78 = arith.addf %broadcast_in_dim3A_77, %broadcast_in_dim3A_73 : vector<1024x1xf32>
    %convert_element_type3A_79 = arith.fptosi %add3A_78 : vector<1024x1xf32> to vector<1024x1xi32>
    %swap3A_80 = arith.constant 0 : index
    %swap3A_81 = arith.constant 0 : index
    %swap3A_82 = vector.load %arg8[%swap3A_80, %swap3A_81] : memref<1024x1xi32, #tpu.memory_space<vmem>>, vector<1024x1xi32>
    tpu.vector_store %arg8[%swap3A_80, %swap3A_81], %convert_element_type3A_79 {strides = array<i32>} : memref<1024x1xi32, #tpu.memory_space<vmem>>, vector<1024x1xi32>,
    %eq3A_83 = arith.cmpi eq, %iota3A_52, %iota3A_53 : vector<1024x1024xi32>
    %jit3A_84 = arith.constant 0.000000e+00 : f32
    %broadcast_in_dim3A_85 = vector.shape_cast %add3A_78 : vector<1024x1xf32> to vector<1024x1xf32>
    %broadcast_in_dim3A_86 = vector.broadcast %broadcast_in_dim3A_85 : vector<1024x1xf32> to vector<1024x1024xf32>
    %broadcast_in_dim3A_87 = vector.broadcast %jit3A_84 : f32 to vector<1024x1024xf32>
    %select_n3A_88 = arith.select %eq3A_83, %broadcast_in_dim3A_86, %broadcast_in_dim3A_87 : vector<1024x1024xi1>, vector<1024x1024xf32>
    %broadcast_in_dim3A_89 = arith.constant 1.000000e+00 : f32
    %broadcast_in_dim3A_90 = vector.broadcast %broadcast_in_dim3A_89 : f32 to vector<1x1024xf32>
    %dot_general3A_91 = arith.constant dense<0.000000e+00> : vector<1x1024xf32>
    %dot_general3A_92 = tpu.matmul %broadcast_in_dim3A_90, %select_n3A_88, %dot_general3A_91 {dimension_numbers = #tpu.dot_dimension_numbers<[1], [0], [0], [1], [0, 0, 1, 1], [], []>, precision = #tpu.contract_precision<fp32>, transpose_lhs_hint = false} : vector<1x1024xf32>, vector<1024x1024xf32>, vector<1x1024xf32> -> vector<1x1024xf32>
    %convert_element_type3A_93 = arith.fptosi %dot_general3A_92 : vector<1x1024xf32> to vector<1x1024xi32>
    %eq3A_94 = vector.broadcast %convert_element_type3A_93 : vector<1x1024xi32> to vector<1024x1024xi32>
    %eq3A_95 = arith.cmpi eq, %eq3A_94, %iota3A_52 : vector<1024x1024xi32>
    %jit3A_96 = arith.constant 0 : i32
    %broadcast_in_dim3A_97 = vector.broadcast %jit3A_96 : i32 to vector<1024x1024xi32>
    %select_n3A_98 = arith.select %eq3A_95, %iota3A_53, %broadcast_in_dim3A_97 : vector<1024x1024xi1>, vector<1024x1024xi32>
    %reduce_sum3A_99 = arith.constant dense<0> : vector<1024xi32>
    %reduce_sum3A_100 = vector.multi_reduction <add>, %select_n3A_98, %reduce_sum3A_99 [1] : vector<1024x1024xi32> to vector<1024xi32>
    %broadcast_in_dim3A_101 = vector.shape_cast %reduce_sum3A_100 : vector<1024xi32> to vector<1024x1xi32>
    %swap3A_102 = arith.constant 0 : index
    %swap3A_103 = arith.constant 0 : index
    %swap3A_104 = vector.load %arg5[%swap3A_102, %swap3A_103] : memref<1024x1xi32, #tpu.memory_space<vmem>>, vector<1024x1xi32>
    tpu.vector_store %arg5[%swap3A_102, %swap3A_103], %broadcast_in_dim3A_101 {strides = array<i32>} : memref<1024x1xi32, #tpu.memory_space<vmem>>, vector<1024x1xi32>,
    %eq3A_105 = arith.cmpi eq, %iota3A_52, %iota3A_53 : vector<1024x1024xi32>
    %jit3A_106 = arith.constant 0.000000e+00 : f32
    %broadcast_in_dim3A_107 = vector.shape_cast %sub3A_33 : vector<1024x1xf32> to vector<1024x1xf32>
    %broadcast_in_dim3A_108 = vector.broadcast %broadcast_in_dim3A_107 : vector<1024x1xf32> to vector<1024x1024xf32>
    %broadcast_in_dim3A_109 = vector.broadcast %jit3A_106 : f32 to vector<1024x1024xf32>
    %select_n3A_110 = arith.select %eq3A_105, %broadcast_in_dim3A_108, %broadcast_in_dim3A_109 : vector<1024x1024xi1>, vector<1024x1024xf32>
    %broadcast_in_dim3A_111 = arith.constant 1.000000e+00 : f32
    %broadcast_in_dim3A_112 = vector.broadcast %broadcast_in_dim3A_111 : f32 to vector<1x1024xf32>
    %dot_general3A_113 = arith.constant dense<0.000000e+00> : vector<1x1024xf32>
    %dot_general3A_114 = tpu.matmul %broadcast_in_dim3A_112, %select_n3A_110, %dot_general3A_113 {dimension_numbers = #tpu.dot_dimension_numbers<[1], [0], [0], [1], [0, 0, 1, 1], [], []>, precision = #tpu.contract_precision<fp32>, transpose_lhs_hint = false} : vector<1x1024xf32>, vector<1024x1024xf32>, vector<1x1024xf32> -> vector<1x1024xf32>
    %jit3A_115 = arith.constant 0.000000e+00 : f32
    %broadcast_in_dim3A_116 = vector.shape_cast %dot_general3A_114 : vector<1x1024xf32> to vector<1x1024xf32>
    %broadcast_in_dim3A_117 = vector.broadcast %broadcast_in_dim3A_116 : vector<1x1024xf32> to vector<1024x1024xf32>
    %broadcast_in_dim3A_118 = vector.broadcast %jit3A_115 : f32 to vector<1024x1024xf32>
    %select_n3A_119 = arith.select %eq3A_95, %broadcast_in_dim3A_117, %broadcast_in_dim3A_118 : vector<1024x1024xi1>, vector<1024x1024xf32>
    %reduce_sum3A_120 = arith.constant dense<0.000000e+00> : vector<1024xf32>
    %reduce_sum3A_121 = vector.multi_reduction <add>, %select_n3A_119, %reduce_sum3A_120 [1] : vector<1024x1024xf32> to vector<1024xf32>
    %broadcast_in_dim3A_122 = vector.shape_cast %reduce_sum3A_121 : vector<1024xf32> to vector<1024x1xf32>
    %swap3A_123 = arith.constant 0 : index
    %swap3A_124 = arith.constant 0 : index
    %swap3A_125 = vector.load %arg7[%swap3A_123, %swap3A_124] : memref<1024x1xf32, #tpu.memory_space<vmem>>, vector<1024x1xf32>
    tpu.vector_store %arg7[%swap3A_123, %swap3A_124], %broadcast_in_dim3A_122 {strides = array<i32>} : memref<1024x1xf32, #tpu.memory_space<vmem>>, vector<1024x1xf32>,
    %iota3A_126 = tpu.iota {dimensions = array<i32: 0>} : vector<64x1xi32>
    %jit3A_127 = arith.constant 4 : i32
    %div3A = vector.broadcast %jit3A_127 : i32 to vector<64x1xi32>
    %div3A_128 = arith.divsi %iota3A_126, %div3A : vector<64x1xi32>
    %sign3A = arith.constant 0 : i32
    %sign3A_129 = vector.broadcast %sign3A : i32 to vector<64x1xi32>
    %sign3A_130 = arith.cmpi sgt, %iota3A_126, %sign3A_129 : vector<64x1xi32>
    %sign3A_131 = arith.extui %sign3A_130 : vector<64x1xi1> to vector<64x1xi32>
    %sign3A_132 = arith.constant 0 : i32
    %sign3A_133 = vector.broadcast %sign3A_132 : i32 to vector<64x1xi32>
    %sign3A_134 = arith.cmpi slt, %iota3A_126, %sign3A_133 : vector<64x1xi32>
    %sign3A_135 = arith.extui %sign3A_134 : vector<64x1xi1> to vector<64x1xi32>
    %sign3A_136 = arith.subi %sign3A_131, %sign3A_135 : vector<64x1xi32>
    %sign3A_137 = arith.constant 0 : i32
    %sign3A_138 = arith.cmpi sgt, %jit3A_127, %sign3A_137 : i32
    %sign3A_139 = arith.extui %sign3A_138 : i1 to i32
    %sign3A_140 = arith.constant 0 : i32
    %sign3A_141 = arith.cmpi slt, %jit3A_127, %sign3A_140 : i32
    %sign3A_142 = arith.extui %sign3A_141 : i1 to i32
    %sign3A_143 = arith.subi %sign3A_139, %sign3A_142 : i32
    %ne3A = vector.broadcast %sign3A_143 : i32 to vector<64x1xi32>
    %ne3A_144 = arith.cmpi ne, %sign3A_136, %ne3A : vector<64x1xi32>
    %rem3A = vector.broadcast %jit3A_127 : i32 to vector<64x1xi32>
    %rem3A_145 = arith.remsi %iota3A_126, %rem3A : vector<64x1xi32>
    %ne3A_146 = arith.constant 0 : i32
    %ne3A_147 = vector.broadcast %ne3A_146 : i32 to vector<64x1xi32>
    %ne3A_148 = arith.cmpi ne, %rem3A_145, %ne3A_147 : vector<64x1xi32>
    %and3A_149 = arith.andi %ne3A_144, %ne3A_148 : vector<64x1xi1>
    %sub3A_150 = arith.constant 1 : i32
    %sub3A_151 = vector.broadcast %sub3A_150 : i32 to vector<64x1xi32>
    %sub3A_152 = arith.subi %div3A_128, %sub3A_151 : vector<64x1xi32>
    %select_n3A_153 = arith.select %and3A_149, %sub3A_152, %div3A_128 : vector<64x1xi1>, vector<64x1xi32>
    %mul3A_154 = arith.constant 4 : i32
    %mul3A_155 = vector.broadcast %mul3A_154 : i32 to vector<64x1xi32>
    %mul3A_156 = arith.muli %select_n3A_153, %mul3A_155 : vector<64x1xi32>
    %sub3A_157 = arith.subi %iota3A_126, %mul3A_156 : vector<64x1xi32>
    %iota3A_158 = tpu.iota {dimensions = array<i32: 1>} : vector<64x16xi32>
    %eq3A_159 = vector.broadcast %select_n3A_153 : vector<64x1xi32> to vector<64x16xi32>
    %eq3A_160 = arith.cmpi eq, %iota3A_158, %eq3A_159 : vector<64x16xi32>
    %convert_element_type3A_161 = arith.extui %eq3A_160 : vector<64x16xi1> to vector<64x16xi32>
    %convert_element_type3A_162 = arith.sitofp %convert_element_type3A_161 : vector<64x16xi32> to vector<64x16xf32>
    %mul3A_163 = vector.broadcast %dot_general3A_45 : vector<1x16xf32> to vector<64x16xf32>
    %mul3A_164 = arith.mulf %convert_element_type3A_162, %mul3A_163 : vector<64x16xf32>
    %reduce_sum3A_165 = arith.constant dense<0.000000e+00> : vector<64xf32>
    %reduce_sum3A_166 = vector.multi_reduction <add>, %mul3A_164, %reduce_sum3A_165 [1] : vector<64x16xf32> to vector<64xf32>
    %broadcast_in_dim3A_167 = vector.shape_cast %reduce_sum3A_166 : vector<64xf32> to vector<64x1xf32>
    %mul3A_168 = vector.broadcast %add3A_46 : vector<1x16xf32> to vector<64x16xf32>
    %mul3A_169 = arith.mulf %convert_element_type3A_162, %mul3A_168 : vector<64x16xf32>
    %reduce_sum3A_170 = arith.constant dense<0.000000e+00> : vector<64xf32>
    %reduce_sum3A_171 = vector.multi_reduction <add>, %mul3A_169, %reduce_sum3A_170 [1] : vector<64x16xf32> to vector<64xf32>
    %broadcast_in_dim3A_172 = vector.shape_cast %reduce_sum3A_171 : vector<64xf32> to vector<64x1xf32>
    %mul3A_173 = arith.constant 256 : i32
    %mul3A_174 = vector.broadcast %mul3A_173 : i32 to vector<64x1xi32>
    %mul3A_175 = arith.muli %sub3A_157, %mul3A_174 : vector<64x1xi32>
    %convert_element_type3A_176 = arith.sitofp %mul3A_175 : vector<64x1xi32> to vector<64x1xf32>
    %max3A_177 = arith.maximumf %broadcast_in_dim3A_167, %convert_element_type3A_176 : vector<64x1xf32>
    %add3A_178 = arith.constant 1 : i32
    %add3A_179 = vector.broadcast %add3A_178 : i32 to vector<64x1xi32>
    %add3A_180 = arith.addi %sub3A_157, %add3A_179 : vector<64x1xi32>
    %mul3A_181 = arith.constant 256 : i32
    %mul3A_182 = vector.broadcast %mul3A_181 : i32 to vector<64x1xi32>
    %mul3A_183 = arith.muli %add3A_180, %mul3A_182 : vector<64x1xi32>
    %convert_element_type3A_184 = arith.sitofp %mul3A_183 : vector<64x1xi32> to vector<64x1xf32>
    %min3A = arith.minimumf %broadcast_in_dim3A_172, %convert_element_type3A_184 : vector<64x1xf32>
    %lt3A_185 = arith.cmpf olt, %max3A_177, %min3A : vector<64x1xf32>
    %convert_element_type3A_186 = arith.extui %lt3A_185 : vector<64x1xi1> to vector<64x1xi32>
    %convert_element_type3A_187 = arith.sitofp %convert_element_type3A_186 : vector<64x1xi32> to vector<64x1xf32>
    %iota3A_188 = tpu.iota {dimensions = array<i32: 0>} : vector<64x64xi32>
    %iota3A_189 = tpu.iota {dimensions = array<i32: 1>} : vector<64x64xi32>
    %eq3A_190 = arith.cmpi eq, %iota3A_188, %iota3A_189 : vector<64x64xi32>
    %jit3A_191 = arith.constant 0.000000e+00 : f32
    %broadcast_in_dim3A_192 = vector.shape_cast %convert_element_type3A_187 : vector<64x1xf32> to vector<64x1xf32>
    %broadcast_in_dim3A_193 = vector.broadcast %broadcast_in_dim3A_192 : vector<64x1xf32> to vector<64x64xf32>
    %broadcast_in_dim3A_194 = vector.broadcast %jit3A_191 : f32 to vector<64x64xf32>
    %select_n3A_195 = arith.select %eq3A_190, %broadcast_in_dim3A_193, %broadcast_in_dim3A_194 : vector<64x64xi1>, vector<64x64xf32>
    %broadcast_in_dim3A_196 = arith.constant 1.000000e+00 : f32
    %broadcast_in_dim3A_197 = vector.broadcast %broadcast_in_dim3A_196 : f32 to vector<1x64xf32>
    %dot_general3A_198 = arith.constant dense<0.000000e+00> : vector<1x64xf32>
    %dot_general3A_199 = tpu.matmul %broadcast_in_dim3A_197, %select_n3A_195, %dot_general3A_198 {dimension_numbers = #tpu.dot_dimension_numbers<[1], [0], [0], [1], [0, 0, 1, 1], [], []>, precision = #tpu.contract_precision<fp32>, transpose_lhs_hint = false} : vector<1x64xf32>, vector<64x64xf32>, vector<1x64xf32> -> vector<1x64xf32>
    %lt3A_200 = arith.cmpi slt, %iota3A_188, %iota3A_189 : vector<64x64xi32>
    %convert_element_type3A_201 = arith.extui %lt3A_200 : vector<64x64xi1> to vector<64x64xi32>
    %convert_element_type3A_202 = arith.sitofp %convert_element_type3A_201 : vector<64x64xi32> to vector<64x64xf32>
    %dot_general3A_203 = arith.constant dense<0.000000e+00> : vector<1x64xf32>
    %dot_general3A_204 = tpu.matmul %dot_general3A_199, %convert_element_type3A_202, %dot_general3A_203 {dimension_numbers = #tpu.dot_dimension_numbers<[1], [0], [0], [1], [0, 0, 1, 1], [], []>, precision = #tpu.contract_precision<fp32>, transpose_lhs_hint = false} : vector<1x64xf32>, vector<64x64xf32>, vector<1x64xf32> -> vector<1x64xf32>
    %reduce_sum3A_205 = vector.shape_cast %convert_element_type3A_187 : vector<64x1xf32> to vector<1x64x1xf32>
    %reduce_sum3A_206 = arith.constant dense<0.000000e+00> : vector<1xf32>
    %reduce_sum3A_207 = vector.multi_reduction <add>, %reduce_sum3A_205, %reduce_sum3A_206 [1, 2] : vector<1x64x1xf32> to vector<1xf32>
    %reduce_sum3A_208 = vector.shape_cast %reduce_sum3A_207 : vector<1xf32> to vector<1x1x1xf32>
    %reduce_sum3A_209 = vector.extract %reduce_sum3A_208[0, 0, 0] : f32 from vector<1x1x1xf32>
    %convert_element_type3A_210 = arith.sitofp %iota3A_188 : vector<64x64xi32> to vector<64x64xf32>
    %eq3A_211 = vector.broadcast %dot_general3A_204 : vector<1x64xf32> to vector<64x64xf32>
    %eq3A_212 = arith.cmpf oeq, %eq3A_211, %convert_element_type3A_210 : vector<64x64xf32>
    %gt3A = arith.constant 5.000000e-01 : f32
    %gt3A_213 = vector.broadcast %gt3A : f32 to vector<1x64xf32>
    %gt3A_214 = arith.cmpf ogt, %dot_general3A_199, %gt3A_213 : vector<1x64xf32>
    %and3A_215 = vector.broadcast %gt3A_214 : vector<1x64xi1> to vector<64x64xi1>
    %and3A_216 = arith.andi %eq3A_212, %and3A_215 : vector<64x64xi1>
    %convert_element_type3A_217 = arith.extui %and3A_216 : vector<64x64xi1> to vector<64x64xi32>
    %convert_element_type3A_218 = arith.sitofp %convert_element_type3A_217 : vector<64x64xi32> to vector<64x64xf32>
    %convert_element_type3A_219 = arith.sitofp %select_n3A_153 : vector<64x1xi32> to vector<64x1xf32>
    %convert_element_type3A_220 = arith.sitofp %sub3A_157 : vector<64x1xi32> to vector<64x1xf32>
    %concatenate3A = tpu.concatenate %convert_element_type3A_219, %convert_element_type3A_220, %max3A_177, %min3A in 1 : vector<64x1xf32>, vector<64x1xf32>, vector<64x1xf32>, vector<64x1xf32> -> vector<64x4xf32>
    %dot_general3A_221 = arith.constant dense<0.000000e+00> : vector<64x4xf32>
    %dot_general3A_222 = tpu.matmul %convert_element_type3A_218, %concatenate3A, %dot_general3A_221 {dimension_numbers = #tpu.dot_dimension_numbers<[1], [0], [0], [1], [0, 0, 1, 1], [], []>, precision = #tpu.contract_precision<fp32>, transpose_lhs_hint = false} : vector<64x64xf32>, vector<64x4xf32>, vector<64x4xf32> -> vector<64x4xf32>
    %iota3A_223 = tpu.iota {dimensions = array<i32: 0>} : vector<64x1xi32>
    %convert_element_type3A_224 = arith.sitofp %iota3A_223 : vector<64x1xi32> to vector<64x1xf32>
    %sub3A_225 = arith.constant 1.000000e+00 : f32
    %sub3A_226 = arith.subf %reduce_sum3A_209, %sub3A_225 : f32
    %eq3A_227 = vector.broadcast %sub3A_226 : f32 to vector<64x1xf32>
    %eq3A_228 = arith.cmpf oeq, %convert_element_type3A_224, %eq3A_227 : vector<64x1xf32>
    %jit3A_229 = arith.constant 0.000000e+00 : f32
    %broadcast_in_dim3A_230 = vector.shape_cast %eq3A_228 : vector<64x1xi1> to vector<64x1xi1>
    %broadcast_in_dim3A_231 = vector.broadcast %broadcast_in_dim3A_230 : vector<64x1xi1> to vector<64x4xi1>
    %broadcast_in_dim3A_232 = vector.broadcast %jit3A_229 : f32 to vector<64x4xf32>
    %select_n3A_233 = arith.select %broadcast_in_dim3A_231, %dot_general3A_222, %broadcast_in_dim3A_232 : vector<64x4xi1>, vector<64x4xf32>
    %reduce_sum3A_234 = arith.constant dense<0.000000e+00> : vector<4xf32>
    %reduce_sum3A_235 = vector.multi_reduction <add>, %select_n3A_233, %reduce_sum3A_234 [0] : vector<64x4xf32> to vector<4xf32>
    %broadcast_in_dim3A_236 = vector.shape_cast %reduce_sum3A_235 : vector<4xf32> to vector<1x4xf32>
    %ge3A = vector.broadcast %reduce_sum3A_209 : f32 to vector<64x1xf32>
    %ge3A_237 = arith.cmpf oge, %convert_element_type3A_224, %ge3A : vector<64x1xf32>
    %slice3A_238 = vector.extract_strided_slice %broadcast_in_dim3A_236 {offsets = [0, 0], sizes = [1, 1], strides = [1, 1]} : vector<1x4xf32> to vector<1x1xf32>
    %squeeze3A = vector.extract %slice3A_238[0, 0] : f32 from vector<1x1xf32>
    %slice3A_239 = vector.extract_strided_slice %dot_general3A_222 {offsets = [0, 0], sizes = [64, 1], strides = [1, 1]} : vector<64x4xf32> to vector<64x1xf32>
    %broadcast_in_dim3A_240 = vector.broadcast %squeeze3A : f32 to vector<64x1xf32>
    %select_n3A_241 = arith.select %ge3A_237, %broadcast_in_dim3A_240, %slice3A_239 : vector<64x1xi1>, vector<64x1xf32>
    %round3A = math.roundeven %select_n3A_241 : vector<64x1xf32>
    %convert_element_type3A_242 = arith.fptosi %round3A : vector<64x1xf32> to vector<64x1xi32>
    %swap3A_243 = arith.constant 0 : index
    %swap3A_244 = arith.constant 0 : index
    %swap3A_245 = vector.load %arg10[%swap3A_243, %swap3A_244] : memref<64x1xi32, #tpu.memory_space<vmem>>, vector<64x1xi32>
    tpu.vector_store %arg10[%swap3A_243, %swap3A_244], %convert_element_type3A_242 {strides = array<i32>} : memref<64x1xi32, #tpu.memory_space<vmem>>, vector<64x1xi32>,
    %slice3A_246 = vector.extract_strided_slice %broadcast_in_dim3A_236 {offsets = [0, 1], sizes = [1, 1], strides = [1, 1]} : vector<1x4xf32> to vector<1x1xf32>
    %squeeze3A_247 = vector.extract %slice3A_246[0, 0] : f32 from vector<1x1xf32>
    %slice3A_248 = vector.extract_strided_slice %dot_general3A_222 {offsets = [0, 1], sizes = [64, 1], strides = [1, 1]} : vector<64x4xf32> to vector<64x1xf32>
    %broadcast_in_dim3A_249 = vector.broadcast %squeeze3A_247 : f32 to vector<64x1xf32>
    %select_n3A_250 = arith.select %ge3A_237, %broadcast_in_dim3A_249, %slice3A_248 : vector<64x1xi1>, vector<64x1xf32>
    %round3A_251 = math.roundeven %select_n3A_250 : vector<64x1xf32>
    %convert_element_type3A_252 = arith.fptosi %round3A_251 : vector<64x1xf32> to vector<64x1xi32>
    %swap3A_253 = arith.constant 0 : index
    %swap3A_254 = arith.constant 0 : index
    %swap3A_255 = vector.load %arg11[%swap3A_253, %swap3A_254] : memref<64x1xi32, #tpu.memory_space<vmem>>, vector<64x1xi32>
    tpu.vector_store %arg11[%swap3A_253, %swap3A_254], %convert_element_type3A_252 {strides = array<i32>} : memref<64x1xi32, #tpu.memory_space<vmem>>, vector<64x1xi32>,
    %slice3A_256 = vector.extract_strided_slice %dot_general3A_222 {offsets = [0, 2], sizes = [64, 1], strides = [1, 1]} : vector<64x4xf32> to vector<64x1xf32>
    %jit3A_257 = arith.constant 0.000000e+00 : f32
    %broadcast_in_dim3A_258 = vector.broadcast %jit3A_257 : f32 to vector<64x1xf32>
    %select_n3A_259 = arith.select %ge3A_237, %broadcast_in_dim3A_258, %slice3A_256 : vector<64x1xi1>, vector<64x1xf32>
    %round3A_260 = math.roundeven %select_n3A_259 : vector<64x1xf32>
    %convert_element_type3A_261 = arith.fptosi %round3A_260 : vector<64x1xf32> to vector<64x1xi32>
    %swap3A_262 = arith.constant 0 : index
    %swap3A_263 = arith.constant 0 : index
    %swap3A_264 = vector.load %arg12[%swap3A_262, %swap3A_263] : memref<64x1xi32, #tpu.memory_space<vmem>>, vector<64x1xi32>
    tpu.vector_store %arg12[%swap3A_262, %swap3A_263], %convert_element_type3A_261 {strides = array<i32>} : memref<64x1xi32, #tpu.memory_space<vmem>>, vector<64x1xi32>,
    %slice3A_265 = vector.extract_strided_slice %dot_general3A_222 {offsets = [0, 3], sizes = [64, 1], strides = [1, 1]} : vector<64x4xf32> to vector<64x1xf32>
    %jit3A_266 = arith.constant 0.000000e+00 : f32
    %broadcast_in_dim3A_267 = vector.broadcast %jit3A_266 : f32 to vector<64x1xf32>
    %select_n3A_268 = arith.select %ge3A_237, %broadcast_in_dim3A_267, %slice3A_265 : vector<64x1xi1>, vector<64x1xf32>
    %round3A_269 = math.roundeven %select_n3A_268 : vector<64x1xf32>
    %convert_element_type3A_270 = arith.fptosi %round3A_269 : vector<64x1xf32> to vector<64x1xi32>
    %swap3A_271 = arith.constant 0 : index
    %swap3A_272 = arith.constant 0 : index
    %swap3A_273 = vector.load %arg13[%swap3A_271, %swap3A_272] : memref<64x1xi32, #tpu.memory_space<vmem>>, vector<64x1xi32>
    tpu.vector_store %arg13[%swap3A_271, %swap3A_272], %convert_element_type3A_270 {strides = array<i32>} : memref<64x1xi32, #tpu.memory_space<vmem>>, vector<64x1xi32>,
    return
  }
}

module attributes {stable_mosaic.version = 14 : i64} {
  func.func @_expert_finish_body(%arg0: i32, %arg1: memref<19xi32, #tpu.memory_space<smem>>, %arg2: memref<19xi32, #tpu.memory_space<smem>>, %arg3: memref<19xi32, #tpu.memory_space<smem>>, %arg4: memref<19xi32, #tpu.memory_space<smem>>, %arg5: memref<1xi32, #tpu.memory_space<smem>>, %arg6: memref<1024x1024xf32, #tpu.memory_space<vmem>>, %arg7: memref<1x1024x512xf32, #tpu.memory_space<vmem>>, %arg8: memref<1x1x512xf32, #tpu.memory_space<vmem>>, %arg9: memref<1x512x1024xf32, #tpu.memory_space<vmem>>, %arg10: memref<1x1x1024xf32, #tpu.memory_space<vmem>>, %arg11: memref<1024x1xf32, #tpu.memory_space<vmem>>, %arg12: memref<1024x1xi32, #tpu.memory_space<vmem>>, %arg13: memref<1024x32xf32, #tpu.memory_space<vmem>>, %arg14: memref<1024x1024xf32, #tpu.memory_space<vmem>>) attributes {dimension_semantics = [#tpu.dimension_semantics<arbitrary>], iteration_bounds = array<i64: 19>, scalar_prefetch = 5 : i64, scratch_operands = 1 : i64, tpu.core_type = #tpu.core_type<tc>, window_params = [{pipeline_mode = #tpu.pipeline_mode<synchronous>, transform_indices = @transform_0, window_bounds = array<i64: 1024, 1024>}, {transform_indices = @transform_1, window_bounds = array<i64: 1, 1024, 512>}, {transform_indices = @transform_2, window_bounds = array<i64: 1, 1, 512>}, {transform_indices = @transform_3, window_bounds = array<i64: 1, 512, 1024>}, {transform_indices = @transform_4, window_bounds = array<i64: 1, 1, 1024>}, {pipeline_mode = #tpu.pipeline_mode<synchronous>, transform_indices = @transform_5, window_bounds = array<i64: 1024, 1>}, {pipeline_mode = #tpu.pipeline_mode<synchronous>, transform_indices = @transform_6, window_bounds = array<i64: 1024, 1>}, {pipeline_mode = #tpu.pipeline_mode<synchronous>, transform_indices = @transform_7, window_bounds = array<i64: 1024, 32>}]} {
    %get3A = arith.index_cast %arg0 : i32 to index
    %get3A_0 = memref.load %arg2[%get3A] : memref<19xi32, #tpu.memory_space<smem>>
    %get3A_1 = arith.index_cast %arg0 : i32 to index
    %get3A_2 = memref.load %arg3[%get3A_1] : memref<19xi32, #tpu.memory_space<smem>>
    %get3A_3 = arith.index_cast %arg0 : i32 to index
    %get3A_4 = memref.load %arg4[%get3A_3] : memref<19xi32, #tpu.memory_space<smem>>
    %lt3A = arith.cmpi slt, %get3A_2, %get3A_4 : i32
    %convert_element_type3A = arith.extui %lt3A : i1 to i32
    %cond3A = arith.constant 0 : i32
    %cond3A_5 = arith.cmpi ne, %convert_element_type3A, %cond3A : i32
    scf.if %cond3A_5 {
      %mul3A = arith.constant 256 : i32
      %mul3A_10 = arith.muli %get3A_0, %mul3A : i32
      %get3A_11 = arith.index_cast %mul3A_10 : i32 to index
      %get3A_12 = arith.constant 0 : index
      %get3A_13 = vector.load %arg6[%get3A_11, %get3A_12] : memref<1024x1024xf32, #tpu.memory_space<vmem>>, vector<256x1024xf32>
      %get3A_14 = arith.constant 0 : index
      %get3A_15 = arith.constant 0 : index
      %get3A_16 = arith.constant 0 : index
      %get3A_17 = vector.load %arg7[%get3A_14, %get3A_15, %get3A_16] : memref<1x1024x512xf32, #tpu.memory_space<vmem>>, vector<1x1024x512xf32>
      %get3A_18 = vector.shape_cast %get3A_17 : vector<1x1024x512xf32> to vector<1024x512xf32>
      %dot_general3A = arith.constant dense<0.000000e+00> : vector<256x512xf32>
      %dot_general3A_19 = tpu.matmul %get3A_13, %get3A_18, %dot_general3A {dimension_numbers = #tpu.dot_dimension_numbers<[1], [0], [0], [1], [0, 0, 1, 1], [], []>, transpose_lhs_hint = false} : vector<256x1024xf32>, vector<1024x512xf32>, vector<256x512xf32> -> vector<256x512xf32>
      %get3A_20 = arith.constant 0 : index
      %get3A_21 = arith.constant 0 : index
      %get3A_22 = arith.constant 0 : index
      %get3A_23 = vector.load %arg8[%get3A_20, %get3A_21, %get3A_22] : memref<1x1x512xf32, #tpu.memory_space<vmem>>, vector<1x1x512xf32>
      %get3A_24 = vector.shape_cast %get3A_23 : vector<1x1x512xf32> to vector<1x512xf32>
      %add3A = vector.broadcast %get3A_24 : vector<1x512xf32> to vector<256x512xf32>
      %add3A_25 = arith.addf %dot_general3A_19, %add3A : vector<256x512xf32>
      %max3A = arith.constant 0.000000e+00 : f32
      %max3A_26 = vector.broadcast %max3A : f32 to vector<256x512xf32>
      %max3A_27 = arith.maximumf %add3A_25, %max3A_26 : vector<256x512xf32>
      %get3A_28 = arith.constant 0 : index
      %get3A_29 = arith.constant 0 : index
      %get3A_30 = arith.constant 0 : index
      %get3A_31 = vector.load %arg9[%get3A_28, %get3A_29, %get3A_30] : memref<1x512x1024xf32, #tpu.memory_space<vmem>>, vector<1x512x1024xf32>
      %get3A_32 = vector.shape_cast %get3A_31 : vector<1x512x1024xf32> to vector<512x1024xf32>
      %dot_general3A_33 = arith.constant dense<0.000000e+00> : vector<256x1024xf32>
      %dot_general3A_34 = tpu.matmul %max3A_27, %get3A_32, %dot_general3A_33 {dimension_numbers = #tpu.dot_dimension_numbers<[1], [0], [0], [1], [0, 0, 1, 1], [], []>, transpose_lhs_hint = false} : vector<256x512xf32>, vector<512x1024xf32>, vector<256x1024xf32> -> vector<256x1024xf32>
      %get3A_35 = arith.constant 0 : index
      %get3A_36 = arith.constant 0 : index
      %get3A_37 = arith.constant 0 : index
      %get3A_38 = vector.load %arg10[%get3A_35, %get3A_36, %get3A_37] : memref<1x1x1024xf32, #tpu.memory_space<vmem>>, vector<1x1x1024xf32>
      %get3A_39 = vector.shape_cast %get3A_38 : vector<1x1x1024xf32> to vector<1x1024xf32>
      %add3A_40 = vector.broadcast %get3A_39 : vector<1x1024xf32> to vector<256x1024xf32>
      %add3A_41 = arith.addf %dot_general3A_34, %add3A_40 : vector<256x1024xf32>
      %mul3A_42 = arith.constant 256 : i32
      %mul3A_43 = arith.muli %get3A_0, %mul3A_42 : i32
      %iota3A = tpu.iota {dimensions = array<i32: 0>} : vector<256x1xi32>
      %add3A_44 = vector.broadcast %mul3A_43 : i32 to vector<256x1xi32>
      %add3A_45 = arith.addi %add3A_44, %iota3A : vector<256x1xi32>
      %ge3A = vector.broadcast %get3A_2 : i32 to vector<256x1xi32>
      %ge3A_46 = arith.cmpi sge, %add3A_45, %ge3A : vector<256x1xi32>
      %lt3A_47 = vector.broadcast %get3A_4 : i32 to vector<256x1xi32>
      %lt3A_48 = arith.cmpi slt, %add3A_45, %lt3A_47 : vector<256x1xi32>
      %and3A = arith.andi %ge3A_46, %lt3A_48 : vector<256x1xi1>
      %mul3A_49 = arith.constant 256 : i32
      %mul3A_50 = arith.muli %get3A_0, %mul3A_49 : i32
      %get3A_51 = arith.index_cast %mul3A_50 : i32 to index
      %get3A_52 = arith.constant 0 : index
      %get3A_53 = vector.load %arg14[%get3A_51, %get3A_52] : memref<1024x1024xf32, #tpu.memory_space<vmem>>, vector<256x1024xf32>
      %broadcast_in_dim3A = vector.shape_cast %and3A : vector<256x1xi1> to vector<256x1xi1>
      %broadcast_in_dim3A_54 = vector.broadcast %broadcast_in_dim3A : vector<256x1xi1> to vector<256x1024xi1>
      %select_n3A = arith.select %broadcast_in_dim3A_54, %add3A_41, %get3A_53 : vector<256x1024xi1>, vector<256x1024xf32>
      %mul3A_55 = arith.constant 256 : i32
      %mul3A_56 = arith.muli %get3A_0, %mul3A_55 : i32
      %swap3A = arith.index_cast %mul3A_56 : i32 to index
      %swap3A_57 = arith.constant 0 : index
      %swap3A_58 = vector.load %arg14[%swap3A, %swap3A_57] : memref<1024x1024xf32, #tpu.memory_space<vmem>>, vector<256x1024xf32>
      tpu.vector_store %arg14[%swap3A, %swap3A_57], %select_n3A {strides = array<i32>} : memref<1024x1024xf32, #tpu.memory_space<vmem>>, vector<256x1024xf32>,
    } else {
    }
    %eq3A = arith.constant 18 : i32
    %eq3A_6 = arith.cmpi eq, %arg0, %eq3A : i32
    %convert_element_type3A_7 = arith.extui %eq3A_6 : i1 to i32
    %cond3A_8 = arith.constant 0 : i32
    %cond3A_9 = arith.cmpi ne, %convert_element_type3A_7, %cond3A_8 : i32
    scf.if %cond3A_9 {
      %get3A_10 = arith.constant 0 : index
      %get3A_11 = arith.constant 0 : index
      %get3A_12 = vector.load %arg14[%get3A_10, %get3A_11] : memref<1024x1024xf32, #tpu.memory_space<vmem>>, vector<1024x1024xf32>
      %reduce_max3A = arith.constant dense<0xFF800000> : vector<1024xf32>
      %reduce_max3A_13 = vector.multi_reduction <maximumf>, %get3A_12, %reduce_max3A [1] : vector<1024x1024xf32> to vector<1024xf32>
      %broadcast_in_dim3A = vector.shape_cast %reduce_max3A_13 : vector<1024xf32> to vector<1024x1xf32>
      %sub3A = vector.broadcast %broadcast_in_dim3A : vector<1024x1xf32> to vector<1024x1024xf32>
      %sub3A_14 = arith.subf %get3A_12, %sub3A : vector<1024x1024xf32>
      %exp3A = math.exp %sub3A_14 : vector<1024x1024xf32>
      %reduce_sum3A = arith.constant dense<0.000000e+00> : vector<1024xf32>
      %reduce_sum3A_15 = vector.multi_reduction <add>, %exp3A, %reduce_sum3A [1] : vector<1024x1024xf32> to vector<1024xf32>
      %broadcast_in_dim3A_16 = vector.shape_cast %reduce_sum3A_15 : vector<1024xf32> to vector<1024x1xf32>
      %log3A = math.log %broadcast_in_dim3A_16 : vector<1024x1xf32>
      %add3A = arith.addf %broadcast_in_dim3A, %log3A : vector<1024x1xf32>
      %iota3A = tpu.iota {dimensions = array<i32: 1>} : vector<1024x1024xi32>
      %reduce_max3A_17 = arith.constant dense<0xFF800000> : vector<1024xf32>
      %reduce_max3A_18 = vector.multi_reduction <maximumf>, %get3A_12, %reduce_max3A_17 [1] : vector<1024x1024xf32> to vector<1024xf32>
      %broadcast_in_dim3A_19 = vector.shape_cast %reduce_max3A_18 : vector<1024xf32> to vector<1024x1xf32>
      %eq3A_20 = vector.broadcast %broadcast_in_dim3A_19 : vector<1024x1xf32> to vector<1024x1024xf32>
      %eq3A_21 = arith.cmpf oeq, %get3A_12, %eq3A_20 : vector<1024x1024xf32>
      %jit3A = arith.constant 1024 : i32
      %broadcast_in_dim3A_22 = vector.broadcast %jit3A : i32 to vector<1024x1024xi32>
      %select_n3A = arith.select %eq3A_21, %iota3A, %broadcast_in_dim3A_22 : vector<1024x1024xi1>, vector<1024x1024xi32>
      %reduce_min3A = arith.constant dense<2147483647> : vector<1024xi32>
      %reduce_min3A_23 = vector.multi_reduction <minsi>, %select_n3A, %reduce_min3A [1] : vector<1024x1024xi32> to vector<1024xi32>
      %broadcast_in_dim3A_24 = vector.shape_cast %reduce_min3A_23 : vector<1024xi32> to vector<1024x1xi32>
      %eq3A_25 = vector.broadcast %broadcast_in_dim3A_24 : vector<1024x1xi32> to vector<1024x1024xi32>
      %eq3A_26 = arith.cmpi eq, %iota3A, %eq3A_25 : vector<1024x1024xi32>
      %jit3A_27 = arith.constant 0xFF800000 : f32
      %broadcast_in_dim3A_28 = vector.broadcast %jit3A_27 : f32 to vector<1024x1024xf32>
      %select_n3A_29 = arith.select %eq3A_26, %broadcast_in_dim3A_28, %get3A_12 : vector<1024x1024xi1>, vector<1024x1024xf32>
      %reduce_max3A_30 = arith.constant dense<0xFF800000> : vector<1024xf32>
      %reduce_max3A_31 = vector.multi_reduction <maximumf>, %select_n3A_29, %reduce_max3A_30 [1] : vector<1024x1024xf32> to vector<1024xf32>
      %broadcast_in_dim3A_32 = vector.shape_cast %reduce_max3A_31 : vector<1024xf32> to vector<1024x1xf32>
      %eq3A_33 = vector.broadcast %broadcast_in_dim3A_32 : vector<1024x1xf32> to vector<1024x1024xf32>
      %eq3A_34 = arith.cmpf oeq, %select_n3A_29, %eq3A_33 : vector<1024x1024xf32>
      %jit3A_35 = arith.constant 1024 : i32
      %broadcast_in_dim3A_36 = vector.broadcast %jit3A_35 : i32 to vector<1024x1024xi32>
      %select_n3A_37 = arith.select %eq3A_34, %iota3A, %broadcast_in_dim3A_36 : vector<1024x1024xi1>, vector<1024x1024xi32>
      %reduce_min3A_38 = arith.constant dense<2147483647> : vector<1024xi32>
      %reduce_min3A_39 = vector.multi_reduction <minsi>, %select_n3A_37, %reduce_min3A_38 [1] : vector<1024x1024xi32> to vector<1024xi32>
      %broadcast_in_dim3A_40 = vector.shape_cast %reduce_min3A_39 : vector<1024xi32> to vector<1024x1xi32>
      %eq3A_41 = vector.broadcast %broadcast_in_dim3A_40 : vector<1024x1xi32> to vector<1024x1024xi32>
      %eq3A_42 = arith.cmpi eq, %iota3A, %eq3A_41 : vector<1024x1024xi32>
      %jit3A_43 = arith.constant 0xFF800000 : f32
      %broadcast_in_dim3A_44 = vector.broadcast %jit3A_43 : f32 to vector<1024x1024xf32>
      %select_n3A_45 = arith.select %eq3A_42, %broadcast_in_dim3A_44, %select_n3A_29 : vector<1024x1024xi1>, vector<1024x1024xf32>
      %reduce_max3A_46 = arith.constant dense<0xFF800000> : vector<1024xf32>
      %reduce_max3A_47 = vector.multi_reduction <maximumf>, %select_n3A_45, %reduce_max3A_46 [1] : vector<1024x1024xf32> to vector<1024xf32>
      %broadcast_in_dim3A_48 = vector.shape_cast %reduce_max3A_47 : vector<1024xf32> to vector<1024x1xf32>
      %eq3A_49 = vector.broadcast %broadcast_in_dim3A_48 : vector<1024x1xf32> to vector<1024x1024xf32>
      %eq3A_50 = arith.cmpf oeq, %select_n3A_45, %eq3A_49 : vector<1024x1024xf32>
      %jit3A_51 = arith.constant 1024 : i32
      %broadcast_in_dim3A_52 = vector.broadcast %jit3A_51 : i32 to vector<1024x1024xi32>
      %select_n3A_53 = arith.select %eq3A_50, %iota3A, %broadcast_in_dim3A_52 : vector<1024x1024xi1>, vector<1024x1024xi32>
      %reduce_min3A_54 = arith.constant dense<2147483647> : vector<1024xi32>
      %reduce_min3A_55 = vector.multi_reduction <minsi>, %select_n3A_53, %reduce_min3A_54 [1] : vector<1024x1024xi32> to vector<1024xi32>
      %broadcast_in_dim3A_56 = vector.shape_cast %reduce_min3A_55 : vector<1024xi32> to vector<1024x1xi32>
      %eq3A_57 = vector.broadcast %broadcast_in_dim3A_56 : vector<1024x1xi32> to vector<1024x1024xi32>
      %eq3A_58 = arith.cmpi eq, %iota3A, %eq3A_57 : vector<1024x1024xi32>
      %jit3A_59 = arith.constant 0xFF800000 : f32
      %broadcast_in_dim3A_60 = vector.broadcast %jit3A_59 : f32 to vector<1024x1024xf32>
      %select_n3A_61 = arith.select %eq3A_58, %broadcast_in_dim3A_60, %select_n3A_45 : vector<1024x1024xi1>, vector<1024x1024xf32>
      %reduce_max3A_62 = arith.constant dense<0xFF800000> : vector<1024xf32>
      %reduce_max3A_63 = vector.multi_reduction <maximumf>, %select_n3A_61, %reduce_max3A_62 [1] : vector<1024x1024xf32> to vector<1024xf32>
      %broadcast_in_dim3A_64 = vector.shape_cast %reduce_max3A_63 : vector<1024xf32> to vector<1024x1xf32>
      %eq3A_65 = vector.broadcast %broadcast_in_dim3A_64 : vector<1024x1xf32> to vector<1024x1024xf32>
      %eq3A_66 = arith.cmpf oeq, %select_n3A_61, %eq3A_65 : vector<1024x1024xf32>
      %jit3A_67 = arith.constant 1024 : i32
      %broadcast_in_dim3A_68 = vector.broadcast %jit3A_67 : i32 to vector<1024x1024xi32>
      %select_n3A_69 = arith.select %eq3A_66, %iota3A, %broadcast_in_dim3A_68 : vector<1024x1024xi1>, vector<1024x1024xi32>
      %reduce_min3A_70 = arith.constant dense<2147483647> : vector<1024xi32>
      %reduce_min3A_71 = vector.multi_reduction <minsi>, %select_n3A_69, %reduce_min3A_70 [1] : vector<1024x1024xi32> to vector<1024xi32>
      %broadcast_in_dim3A_72 = vector.shape_cast %reduce_min3A_71 : vector<1024xi32> to vector<1024x1xi32>
      %eq3A_73 = vector.broadcast %broadcast_in_dim3A_72 : vector<1024x1xi32> to vector<1024x1024xi32>
      %eq3A_74 = arith.cmpi eq, %iota3A, %eq3A_73 : vector<1024x1024xi32>
      %jit3A_75 = arith.constant 0xFF800000 : f32
      %broadcast_in_dim3A_76 = vector.broadcast %jit3A_75 : f32 to vector<1024x1024xf32>
      %select_n3A_77 = arith.select %eq3A_74, %broadcast_in_dim3A_76, %select_n3A_61 : vector<1024x1024xi1>, vector<1024x1024xf32>
      %reduce_max3A_78 = arith.constant dense<0xFF800000> : vector<1024xf32>
      %reduce_max3A_79 = vector.multi_reduction <maximumf>, %select_n3A_77, %reduce_max3A_78 [1] : vector<1024x1024xf32> to vector<1024xf32>
      %broadcast_in_dim3A_80 = vector.shape_cast %reduce_max3A_79 : vector<1024xf32> to vector<1024x1xf32>
      %eq3A_81 = vector.broadcast %broadcast_in_dim3A_80 : vector<1024x1xf32> to vector<1024x1024xf32>
      %eq3A_82 = arith.cmpf oeq, %select_n3A_77, %eq3A_81 : vector<1024x1024xf32>
      %jit3A_83 = arith.constant 1024 : i32
      %broadcast_in_dim3A_84 = vector.broadcast %jit3A_83 : i32 to vector<1024x1024xi32>
      %select_n3A_85 = arith.select %eq3A_82, %iota3A, %broadcast_in_dim3A_84 : vector<1024x1024xi1>, vector<1024x1024xi32>
      %reduce_min3A_86 = arith.constant dense<2147483647> : vector<1024xi32>
      %reduce_min3A_87 = vector.multi_reduction <minsi>, %select_n3A_85, %reduce_min3A_86 [1] : vector<1024x1024xi32> to vector<1024xi32>
      %broadcast_in_dim3A_88 = vector.shape_cast %reduce_min3A_87 : vector<1024xi32> to vector<1024x1xi32>
      %eq3A_89 = vector.broadcast %broadcast_in_dim3A_88 : vector<1024x1xi32> to vector<1024x1024xi32>
      %eq3A_90 = arith.cmpi eq, %iota3A, %eq3A_89 : vector<1024x1024xi32>
      %jit3A_91 = arith.constant 0xFF800000 : f32
      %broadcast_in_dim3A_92 = vector.broadcast %jit3A_91 : f32 to vector<1024x1024xf32>
      %select_n3A_93 = arith.select %eq3A_90, %broadcast_in_dim3A_92, %select_n3A_77 : vector<1024x1024xi1>, vector<1024x1024xf32>
      %reduce_max3A_94 = arith.constant dense<0xFF800000> : vector<1024xf32>
      %reduce_max3A_95 = vector.multi_reduction <maximumf>, %select_n3A_93, %reduce_max3A_94 [1] : vector<1024x1024xf32> to vector<1024xf32>
      %broadcast_in_dim3A_96 = vector.shape_cast %reduce_max3A_95 : vector<1024xf32> to vector<1024x1xf32>
      %eq3A_97 = vector.broadcast %broadcast_in_dim3A_96 : vector<1024x1xf32> to vector<1024x1024xf32>
      %eq3A_98 = arith.cmpf oeq, %select_n3A_93, %eq3A_97 : vector<1024x1024xf32>
      %jit3A_99 = arith.constant 1024 : i32
      %broadcast_in_dim3A_100 = vector.broadcast %jit3A_99 : i32 to vector<1024x1024xi32>
      %select_n3A_101 = arith.select %eq3A_98, %iota3A, %broadcast_in_dim3A_100 : vector<1024x1024xi1>, vector<1024x1024xi32>
      %reduce_min3A_102 = arith.constant dense<2147483647> : vector<1024xi32>
      %reduce_min3A_103 = vector.multi_reduction <minsi>, %select_n3A_101, %reduce_min3A_102 [1] : vector<1024x1024xi32> to vector<1024xi32>
      %broadcast_in_dim3A_104 = vector.shape_cast %reduce_min3A_103 : vector<1024xi32> to vector<1024x1xi32>
      %eq3A_105 = vector.broadcast %broadcast_in_dim3A_104 : vector<1024x1xi32> to vector<1024x1024xi32>
      %eq3A_106 = arith.cmpi eq, %iota3A, %eq3A_105 : vector<1024x1024xi32>
      %jit3A_107 = arith.constant 0xFF800000 : f32
      %broadcast_in_dim3A_108 = vector.broadcast %jit3A_107 : f32 to vector<1024x1024xf32>
      %select_n3A_109 = arith.select %eq3A_106, %broadcast_in_dim3A_108, %select_n3A_93 : vector<1024x1024xi1>, vector<1024x1024xf32>
      %reduce_max3A_110 = arith.constant dense<0xFF800000> : vector<1024xf32>
      %reduce_max3A_111 = vector.multi_reduction <maximumf>, %select_n3A_109, %reduce_max3A_110 [1] : vector<1024x1024xf32> to vector<1024xf32>
      %broadcast_in_dim3A_112 = vector.shape_cast %reduce_max3A_111 : vector<1024xf32> to vector<1024x1xf32>
      %eq3A_113 = vector.broadcast %broadcast_in_dim3A_112 : vector<1024x1xf32> to vector<1024x1024xf32>
      %eq3A_114 = arith.cmpf oeq, %select_n3A_109, %eq3A_113 : vector<1024x1024xf32>
      %jit3A_115 = arith.constant 1024 : i32
      %broadcast_in_dim3A_116 = vector.broadcast %jit3A_115 : i32 to vector<1024x1024xi32>
      %select_n3A_117 = arith.select %eq3A_114, %iota3A, %broadcast_in_dim3A_116 : vector<1024x1024xi1>, vector<1024x1024xi32>
      %reduce_min3A_118 = arith.constant dense<2147483647> : vector<1024xi32>
      %reduce_min3A_119 = vector.multi_reduction <minsi>, %select_n3A_117, %reduce_min3A_118 [1] : vector<1024x1024xi32> to vector<1024xi32>
      %broadcast_in_dim3A_120 = vector.shape_cast %reduce_min3A_119 : vector<1024xi32> to vector<1024x1xi32>
      %eq3A_121 = vector.broadcast %broadcast_in_dim3A_120 : vector<1024x1xi32> to vector<1024x1024xi32>
      %eq3A_122 = arith.cmpi eq, %iota3A, %eq3A_121 : vector<1024x1024xi32>
      %jit3A_123 = arith.constant 0xFF800000 : f32
      %broadcast_in_dim3A_124 = vector.broadcast %jit3A_123 : f32 to vector<1024x1024xf32>
      %select_n3A_125 = arith.select %eq3A_122, %broadcast_in_dim3A_124, %select_n3A_109 : vector<1024x1024xi1>, vector<1024x1024xf32>
      %reduce_max3A_126 = arith.constant dense<0xFF800000> : vector<1024xf32>
      %reduce_max3A_127 = vector.multi_reduction <maximumf>, %select_n3A_125, %reduce_max3A_126 [1] : vector<1024x1024xf32> to vector<1024xf32>
      %broadcast_in_dim3A_128 = vector.shape_cast %reduce_max3A_127 : vector<1024xf32> to vector<1024x1xf32>
      %eq3A_129 = vector.broadcast %broadcast_in_dim3A_128 : vector<1024x1xf32> to vector<1024x1024xf32>
      %eq3A_130 = arith.cmpf oeq, %select_n3A_125, %eq3A_129 : vector<1024x1024xf32>
      %jit3A_131 = arith.constant 1024 : i32
      %broadcast_in_dim3A_132 = vector.broadcast %jit3A_131 : i32 to vector<1024x1024xi32>
      %select_n3A_133 = arith.select %eq3A_130, %iota3A, %broadcast_in_dim3A_132 : vector<1024x1024xi1>, vector<1024x1024xi32>
      %reduce_min3A_134 = arith.constant dense<2147483647> : vector<1024xi32>
      %reduce_min3A_135 = vector.multi_reduction <minsi>, %select_n3A_133, %reduce_min3A_134 [1] : vector<1024x1024xi32> to vector<1024xi32>
      %broadcast_in_dim3A_136 = vector.shape_cast %reduce_min3A_135 : vector<1024xi32> to vector<1024x1xi32>
      %eq3A_137 = vector.broadcast %broadcast_in_dim3A_136 : vector<1024x1xi32> to vector<1024x1024xi32>
      %eq3A_138 = arith.cmpi eq, %iota3A, %eq3A_137 : vector<1024x1024xi32>
      %jit3A_139 = arith.constant 0xFF800000 : f32
      %broadcast_in_dim3A_140 = vector.broadcast %jit3A_139 : f32 to vector<1024x1024xf32>
      %select_n3A_141 = arith.select %eq3A_138, %broadcast_in_dim3A_140, %select_n3A_125 : vector<1024x1024xi1>, vector<1024x1024xf32>
      %reduce_max3A_142 = arith.constant dense<0xFF800000> : vector<1024xf32>
      %reduce_max3A_143 = vector.multi_reduction <maximumf>, %select_n3A_141, %reduce_max3A_142 [1] : vector<1024x1024xf32> to vector<1024xf32>
      %broadcast_in_dim3A_144 = vector.shape_cast %reduce_max3A_143 : vector<1024xf32> to vector<1024x1xf32>
      %eq3A_145 = vector.broadcast %broadcast_in_dim3A_144 : vector<1024x1xf32> to vector<1024x1024xf32>
      %eq3A_146 = arith.cmpf oeq, %select_n3A_141, %eq3A_145 : vector<1024x1024xf32>
      %jit3A_147 = arith.constant 1024 : i32
      %broadcast_in_dim3A_148 = vector.broadcast %jit3A_147 : i32 to vector<1024x1024xi32>
      %select_n3A_149 = arith.select %eq3A_146, %iota3A, %broadcast_in_dim3A_148 : vector<1024x1024xi1>, vector<1024x1024xi32>
      %reduce_min3A_150 = arith.constant dense<2147483647> : vector<1024xi32>
      %reduce_min3A_151 = vector.multi_reduction <minsi>, %select_n3A_149, %reduce_min3A_150 [1] : vector<1024x1024xi32> to vector<1024xi32>
      %broadcast_in_dim3A_152 = vector.shape_cast %reduce_min3A_151 : vector<1024xi32> to vector<1024x1xi32>
      %eq3A_153 = vector.broadcast %broadcast_in_dim3A_152 : vector<1024x1xi32> to vector<1024x1024xi32>
      %eq3A_154 = arith.cmpi eq, %iota3A, %eq3A_153 : vector<1024x1024xi32>
      %jit3A_155 = arith.constant 0xFF800000 : f32
      %broadcast_in_dim3A_156 = vector.broadcast %jit3A_155 : f32 to vector<1024x1024xf32>
      %select_n3A_157 = arith.select %eq3A_154, %broadcast_in_dim3A_156, %select_n3A_141 : vector<1024x1024xi1>, vector<1024x1024xf32>
      %reduce_max3A_158 = arith.constant dense<0xFF800000> : vector<1024xf32>
      %reduce_max3A_159 = vector.multi_reduction <maximumf>, %select_n3A_157, %reduce_max3A_158 [1] : vector<1024x1024xf32> to vector<1024xf32>
      %broadcast_in_dim3A_160 = vector.shape_cast %reduce_max3A_159 : vector<1024xf32> to vector<1024x1xf32>
      %eq3A_161 = vector.broadcast %broadcast_in_dim3A_160 : vector<1024x1xf32> to vector<1024x1024xf32>
      %eq3A_162 = arith.cmpf oeq, %select_n3A_157, %eq3A_161 : vector<1024x1024xf32>
      %jit3A_163 = arith.constant 1024 : i32
      %broadcast_in_dim3A_164 = vector.broadcast %jit3A_163 : i32 to vector<1024x1024xi32>
      %select_n3A_165 = arith.select %eq3A_162, %iota3A, %broadcast_in_dim3A_164 : vector<1024x1024xi1>, vector<1024x1024xi32>
      %reduce_min3A_166 = arith.constant dense<2147483647> : vector<1024xi32>
      %reduce_min3A_167 = vector.multi_reduction <minsi>, %select_n3A_165, %reduce_min3A_166 [1] : vector<1024x1024xi32> to vector<1024xi32>
      %broadcast_in_dim3A_168 = vector.shape_cast %reduce_min3A_167 : vector<1024xi32> to vector<1024x1xi32>
      %eq3A_169 = vector.broadcast %broadcast_in_dim3A_168 : vector<1024x1xi32> to vector<1024x1024xi32>
      %eq3A_170 = arith.cmpi eq, %iota3A, %eq3A_169 : vector<1024x1024xi32>
      %jit3A_171 = arith.constant 0xFF800000 : f32
      %broadcast_in_dim3A_172 = vector.broadcast %jit3A_171 : f32 to vector<1024x1024xf32>
      %select_n3A_173 = arith.select %eq3A_170, %broadcast_in_dim3A_172, %select_n3A_157 : vector<1024x1024xi1>, vector<1024x1024xf32>
      %reduce_max3A_174 = arith.constant dense<0xFF800000> : vector<1024xf32>
      %reduce_max3A_175 = vector.multi_reduction <maximumf>, %select_n3A_173, %reduce_max3A_174 [1] : vector<1024x1024xf32> to vector<1024xf32>
      %broadcast_in_dim3A_176 = vector.shape_cast %reduce_max3A_175 : vector<1024xf32> to vector<1024x1xf32>
      %eq3A_177 = vector.broadcast %broadcast_in_dim3A_176 : vector<1024x1xf32> to vector<1024x1024xf32>
      %eq3A_178 = arith.cmpf oeq, %select_n3A_173, %eq3A_177 : vector<1024x1024xf32>
      %jit3A_179 = arith.constant 1024 : i32
      %broadcast_in_dim3A_180 = vector.broadcast %jit3A_179 : i32 to vector<1024x1024xi32>
      %select_n3A_181 = arith.select %eq3A_178, %iota3A, %broadcast_in_dim3A_180 : vector<1024x1024xi1>, vector<1024x1024xi32>
      %reduce_min3A_182 = arith.constant dense<2147483647> : vector<1024xi32>
      %reduce_min3A_183 = vector.multi_reduction <minsi>, %select_n3A_181, %reduce_min3A_182 [1] : vector<1024x1024xi32> to vector<1024xi32>
      %broadcast_in_dim3A_184 = vector.shape_cast %reduce_min3A_183 : vector<1024xi32> to vector<1024x1xi32>
      %concatenate3A = tpu.concatenate %broadcast_in_dim3A_19, %broadcast_in_dim3A_32, %broadcast_in_dim3A_48, %broadcast_in_dim3A_64, %broadcast_in_dim3A_80, %broadcast_in_dim3A_96, %broadcast_in_dim3A_112, %broadcast_in_dim3A_128, %broadcast_in_dim3A_144, %broadcast_in_dim3A_160, %broadcast_in_dim3A_176 in 1 : vector<1024x1xf32>, vector<1024x1xf32>, vector<1024x1xf32>, vector<1024x1xf32>, vector<1024x1xf32>, vector<1024x1xf32>, vector<1024x1xf32>, vector<1024x1xf32>, vector<1024x1xf32>, vector<1024x1xf32>, vector<1024x1xf32> -> vector<1024x11xf32>
      %concatenate3A_185 = tpu.concatenate %broadcast_in_dim3A_24, %broadcast_in_dim3A_40, %broadcast_in_dim3A_56, %broadcast_in_dim3A_72, %broadcast_in_dim3A_88, %broadcast_in_dim3A_104, %broadcast_in_dim3A_120, %broadcast_in_dim3A_136, %broadcast_in_dim3A_152, %broadcast_in_dim3A_168, %broadcast_in_dim3A_184 in 1 : vector<1024x1xi32>, vector<1024x1xi32>, vector<1024x1xi32>, vector<1024x1xi32>, vector<1024x1xi32>, vector<1024x1xi32>, vector<1024x1xi32>, vector<1024x1xi32>, vector<1024x1xi32>, vector<1024x1xi32>, vector<1024x1xi32> -> vector<1024x11xi32>
      %iota3A_186 = tpu.iota {dimensions = array<i32: 0>} : vector<1024x1xi32>
      %get3A_187 = arith.constant 0 : index
      %get3A_188 = memref.load %arg5[%get3A_187] : memref<1xi32, #tpu.memory_space<smem>>
      %lt3A_189 = vector.broadcast %get3A_188 : i32 to vector<1024x1xi32>
      %lt3A_190 = arith.cmpi slt, %iota3A_186, %lt3A_189 : vector<1024x1xi32>
      %eq3A_191 = arith.constant 0 : i32
      %eq3A_192 = vector.broadcast %eq3A_191 : i32 to vector<1024x11xi32>
      %eq3A_193 = arith.cmpi eq, %concatenate3A_185, %eq3A_192 : vector<1024x11xi32>
      %and3A = vector.broadcast %lt3A_190 : vector<1024x1xi1> to vector<1024x11xi1>
      %and3A_194 = arith.andi %and3A, %eq3A_193 : vector<1024x11xi1>
      %iota3A_195 = tpu.iota {dimensions = array<i32: 1>} : vector<1024x11xi32>
      %jit3A_196 = arith.constant 11 : i32
      %broadcast_in_dim3A_197 = vector.broadcast %jit3A_196 : i32 to vector<1024x11xi32>
      %select_n3A_198 = arith.select %and3A_194, %iota3A_195, %broadcast_in_dim3A_197 : vector<1024x11xi1>, vector<1024x11xi32>
      %reduce_min3A_199 = arith.constant dense<2147483647> : vector<1024xi32>
      %reduce_min3A_200 = vector.multi_reduction <minsi>, %select_n3A_198, %reduce_min3A_199 [1] : vector<1024x11xi32> to vector<1024xi32>
      %broadcast_in_dim3A_201 = vector.shape_cast %reduce_min3A_200 : vector<1024xi32> to vector<1024x1xi32>
      %iota3A_202 = tpu.iota {dimensions = array<i32: 1>} : vector<1024x10xi32>
      %ge3A = vector.broadcast %broadcast_in_dim3A_201 : vector<1024x1xi32> to vector<1024x10xi32>
      %ge3A_203 = arith.cmpi sge, %iota3A_202, %ge3A : vector<1024x10xi32>
      %slice3A = vector.extract_strided_slice %concatenate3A_185 {offsets = [0, 1], sizes = [1024, 10], strides = [1, 1]} : vector<1024x11xi32> to vector<1024x10xi32>
      %slice3A_204 = vector.extract_strided_slice %concatenate3A_185 {offsets = [0, 0], sizes = [1024, 10], strides = [1, 1]} : vector<1024x11xi32> to vector<1024x10xi32>
      %select_n3A_205 = arith.select %ge3A_203, %slice3A, %slice3A_204 : vector<1024x10xi1>, vector<1024x10xi32>
      %slice3A_206 = vector.extract_strided_slice %concatenate3A {offsets = [0, 1], sizes = [1024, 10], strides = [1, 1]} : vector<1024x11xf32> to vector<1024x10xf32>
      %slice3A_207 = vector.extract_strided_slice %concatenate3A {offsets = [0, 0], sizes = [1024, 10], strides = [1, 1]} : vector<1024x11xf32> to vector<1024x10xf32>
      %select_n3A_208 = arith.select %ge3A_203, %slice3A_206, %slice3A_207 : vector<1024x10xi1>, vector<1024x10xf32>
      %get3A_209 = arith.constant 0 : index
      %get3A_210 = arith.constant 0 : index
      %get3A_211 = vector.load %arg11[%get3A_209, %get3A_210] : memref<1024x1xf32, #tpu.memory_space<vmem>>, vector<1024x1xf32>
      %sub3A_212 = vector.broadcast %add3A : vector<1024x1xf32> to vector<1024x10xf32>
      %sub3A_213 = arith.subf %select_n3A_208, %sub3A_212 : vector<1024x10xf32>
      %add3A_214 = vector.broadcast %get3A_211 : vector<1024x1xf32> to vector<1024x10xf32>
      %add3A_215 = arith.addf %add3A_214, %sub3A_213 : vector<1024x10xf32>
      %iota3A_216 = tpu.iota {dimensions = array<i32: 1>} : vector<1024x1024xi32>
      %get3A_217 = arith.constant 0 : index
      %get3A_218 = arith.constant 0 : index
      %get3A_219 = vector.load %arg12[%get3A_217, %get3A_218] : memref<1024x1xi32, #tpu.memory_space<vmem>>, vector<1024x1xi32>
      %eq3A_220 = vector.broadcast %get3A_219 : vector<1024x1xi32> to vector<1024x1024xi32>
      %eq3A_221 = arith.cmpi eq, %iota3A_216, %eq3A_220 : vector<1024x1024xi32>
      %convert_element_type3A_222 = arith.extui %eq3A_221 : vector<1024x1024xi1> to vector<1024x1024xi32>
      %convert_element_type3A_223 = arith.sitofp %convert_element_type3A_222 : vector<1024x1024xi32> to vector<1024x1024xf32>
      %convert_element_type3A_224 = arith.sitofp %select_n3A_205 : vector<1024x10xi32> to vector<1024x10xf32>
      %broadcast_in_dim3A_225 = arith.constant 0.000000e+00 : f32
      %broadcast_in_dim3A_226 = vector.broadcast %broadcast_in_dim3A_225 : f32 to vector<1024x12xf32>
      %concatenate3A_227 = tpu.concatenate %add3A_215, %convert_element_type3A_224, %broadcast_in_dim3A_226 in 1 : vector<1024x10xf32>, vector<1024x10xf32>, vector<1024x12xf32> -> vector<1024x32xf32>
      %dot_general3A = arith.constant dense<0.000000e+00> : vector<1024x32xf32>
      %dot_general3A_228 = tpu.matmul %convert_element_type3A_223, %concatenate3A_227, %dot_general3A {dimension_numbers = #tpu.dot_dimension_numbers<[1], [0], [0], [1], [0, 0, 1, 1], [], []>, precision = #tpu.contract_precision<fp32>, transpose_lhs_hint = false} : vector<1024x1024xf32>, vector<1024x32xf32>, vector<1024x32xf32> -> vector<1024x32xf32>
      %swap3A = arith.constant 0 : index
      %swap3A_229 = arith.constant 0 : index
      %swap3A_230 = vector.load %arg13[%swap3A, %swap3A_229] : memref<1024x32xf32, #tpu.memory_space<vmem>>, vector<1024x32xf32>
      tpu.vector_store %arg13[%swap3A, %swap3A_229], %dot_general3A_228 {strides = array<i32>} : memref<1024x32xf32, #tpu.memory_space<vmem>>, vector<1024x32xf32>,
    } else {
    }
    return
  }
  func.func @transform_0(%arg0: i32, %arg1: memref<19xi32, #tpu.memory_space<smem>>, %arg2: memref<19xi32, #tpu.memory_space<smem>>, %arg3: memref<19xi32, #tpu.memory_space<smem>>, %arg4: memref<19xi32, #tpu.memory_space<smem>>, %arg5: memref<1xi32, #tpu.memory_space<smem>>) -> (i32, i32) {
    %c0_i32 = arith.constant 0 : i32
    %c0_i32_0 = arith.constant 0 : i32
    %c0_i32_1 = arith.constant 0 : i32
    return %c0_i32, %c0_i32_0 : i32, i32
  }
  func.func @transform_1(%arg0: i32, %arg1: memref<19xi32, #tpu.memory_space<smem>>, %arg2: memref<19xi32, #tpu.memory_space<smem>>, %arg3: memref<19xi32, #tpu.memory_space<smem>>, %arg4: memref<19xi32, #tpu.memory_space<smem>>, %arg5: memref<1xi32, #tpu.memory_space<smem>>) -> (i32, i32, i32) {
    %get3A = arith.index_cast %arg0 : i32 to index
    %get3A_0 = memref.load %arg1[%get3A] : memref<19xi32, #tpu.memory_space<smem>>
    %c0_i32 = arith.constant 0 : i32
    %c0_i32_1 = arith.constant 0 : i32
    %c0_i32_2 = arith.constant 0 : i32
    return %get3A_0, %c0_i32, %c0_i32_1 : i32, i32, i32
  }
  func.func @transform_2(%arg0: i32, %arg1: memref<19xi32, #tpu.memory_space<smem>>, %arg2: memref<19xi32, #tpu.memory_space<smem>>, %arg3: memref<19xi32, #tpu.memory_space<smem>>, %arg4: memref<19xi32, #tpu.memory_space<smem>>, %arg5: memref<1xi32, #tpu.memory_space<smem>>) -> (i32, i32, i32) {
    %get3A = arith.index_cast %arg0 : i32 to index
    %get3A_0 = memref.load %arg1[%get3A] : memref<19xi32, #tpu.memory_space<smem>>
    %c0_i32 = arith.constant 0 : i32
    %c0_i32_1 = arith.constant 0 : i32
    %c0_i32_2 = arith.constant 0 : i32
    return %get3A_0, %c0_i32, %c0_i32_1 : i32, i32, i32
  }
  func.func @transform_3(%arg0: i32, %arg1: memref<19xi32, #tpu.memory_space<smem>>, %arg2: memref<19xi32, #tpu.memory_space<smem>>, %arg3: memref<19xi32, #tpu.memory_space<smem>>, %arg4: memref<19xi32, #tpu.memory_space<smem>>, %arg5: memref<1xi32, #tpu.memory_space<smem>>) -> (i32, i32, i32) {
    %get3A = arith.index_cast %arg0 : i32 to index
    %get3A_0 = memref.load %arg1[%get3A] : memref<19xi32, #tpu.memory_space<smem>>
    %c0_i32 = arith.constant 0 : i32
    %c0_i32_1 = arith.constant 0 : i32
    %c0_i32_2 = arith.constant 0 : i32
    return %get3A_0, %c0_i32, %c0_i32_1 : i32, i32, i32
  }
  func.func @transform_4(%arg0: i32, %arg1: memref<19xi32, #tpu.memory_space<smem>>, %arg2: memref<19xi32, #tpu.memory_space<smem>>, %arg3: memref<19xi32, #tpu.memory_space<smem>>, %arg4: memref<19xi32, #tpu.memory_space<smem>>, %arg5: memref<1xi32, #tpu.memory_space<smem>>) -> (i32, i32, i32) {
    %get3A = arith.index_cast %arg0 : i32 to index
    %get3A_0 = memref.load %arg1[%get3A] : memref<19xi32, #tpu.memory_space<smem>>
    %c0_i32 = arith.constant 0 : i32
    %c0_i32_1 = arith.constant 0 : i32
    %c0_i32_2 = arith.constant 0 : i32
    return %get3A_0, %c0_i32, %c0_i32_1 : i32, i32, i32
  }
  func.func @transform_5(%arg0: i32, %arg1: memref<19xi32, #tpu.memory_space<smem>>, %arg2: memref<19xi32, #tpu.memory_space<smem>>, %arg3: memref<19xi32, #tpu.memory_space<smem>>, %arg4: memref<19xi32, #tpu.memory_space<smem>>, %arg5: memref<1xi32, #tpu.memory_space<smem>>) -> (i32, i32) {
    %c0_i32 = arith.constant 0 : i32
    %c0_i32_0 = arith.constant 0 : i32
    %c0_i32_1 = arith.constant 0 : i32
    return %c0_i32, %c0_i32_0 : i32, i32
  }
  func.func @transform_6(%arg0: i32, %arg1: memref<19xi32, #tpu.memory_space<smem>>, %arg2: memref<19xi32, #tpu.memory_space<smem>>, %arg3: memref<19xi32, #tpu.memory_space<smem>>, %arg4: memref<19xi32, #tpu.memory_space<smem>>, %arg5: memref<1xi32, #tpu.memory_space<smem>>) -> (i32, i32) {
    %c0_i32 = arith.constant 0 : i32
    %c0_i32_0 = arith.constant 0 : i32
    %c0_i32_1 = arith.constant 0 : i32
    return %c0_i32, %c0_i32_0 : i32, i32
  }
  func.func @transform_7(%arg0: i32, %arg1: memref<19xi32, #tpu.memory_space<smem>>, %arg2: memref<19xi32, #tpu.memory_space<smem>>, %arg3: memref<19xi32, #tpu.memory_space<smem>>, %arg4: memref<19xi32, #tpu.memory_space<smem>>, %arg5: memref<1xi32, #tpu.memory_space<smem>>) -> (i32, i32) {
    %c0_i32 = arith.constant 0 : i32
    %c0_i32_0 = arith.constant 0 : i32
    %c0_i32_1 = arith.constant 0 : i32
    return %c0_i32, %c0_i32_0 : i32, i32
  }
}

</mosaic_0001>

<sc_bundles>
// kernel: kernel.5.cloned.1.call-start
scs
__scs_entry_jumppad:
0x0: {  	(pc) =	sbr.rel $0x88, $3  }
0x1: {  	(tag) =	ssettag $0x0;
	lr =	simm.s32 $0x1  }
0x2: {  	[smem:$0x3F98] =	sst lr;
	_ =	strace $0xD0000000  }
0x3: {  	_ = 	snop  }
0x4: {  	_ = 	snop  }
0x5: {  	_ = 	snop  }
0x6: {  	_ = 	snop  }
0x7: {  	_ = 	snop  }
__scs_overlays_trampoline_lowered:
0x8: {  	[smem:$0x3FA7] =	sst s0  }
0x9: {  	[smem:$0x3FA8] =	sst s1  }
0xa: {  	[smem:$0x3FA9] =	sst s2  }
0xb: {  	[smem:$0x3FAA] =	sst s3  }
0xc: {  	[smem:$0x3FAB] =	sst s4  }
0xd: {  	[smem:$0x3FAC] =	sst s5  }
0xe: {  	[smem:$0x3FAD] =	sst s6  }
0xf: {  	[smem:$0x3FAE] =	sst s7  }
0x10: {  	[smem:$0x3FAF] =	sst s8  }
0x11: {  	[smem:$0x3FB0] =	sst s9;
	s0 =	simm.s32 @!p0 $0x0  }
0x12: {  	s1 =	sld [smem:$0x3F96];
	s0 =	simm.s32 @p0 $0x1  }
0x13: {  	[smem:$0x3FB1] =	sst s0;
	s0 =	simm.s32 @!p1 $0x0  }
0x14: {  	s2 =	sld [smem:$0x3F95];
	s0 =	simm.s32 @p1 $0x1  }
0x15: {  	[smem:$0x3FB2] =	sst s0;
	s0 =	simm.s32 @!p2 $0x0  }
0x16: {  	s3 =	sld [smem:$0x3FDB];
	s0 =	simm.s32 @p2 $0x1  }
0x17: {  	s4 =	simm.s32 $0x1BF5;
	[smem:$0x3FB4] =	sst s0  }
0x18: {  	s0 =	sld [smem:$0x3F97];
	_ =	swait.ge [sflag:s4], $0x0  }
0x19: {  	s7 =	sld [smem:$0x3F98]  }
0x1a: {  	s8 =	sadd.s32 $0xFFFFE003, lr  }
0x1b: {  	s9 =	sadd.s32 $0xFFFFFEF7, lr;
	s5 =	simm.s32 $0xFFFFFFFF;
	p2 =	slt.u32 s8, $0xFFFFF086  }
0x1c: {  	p1 =	slt.u32 s9, $0xF7A;
	s5 =	simm.s32 @!p2 $0x0  }
0x1d: {  	s5 =	simm.s32 @p1 $0x1;
	p0 =	seq.s32 s7, s2  }
0x1e: {  	s7 =	smul.u32 @!p0 $0xF7A, s2;
	p2 =	seq.s32 @!p0 s5, $0x0  }
0x1f: {  	s9 =	smul.u32 $0xF7A, s1;
	s8 =	simm.s32 @!p0 $0x1BF5;
	p2 =	por !p2, p0  }
0x20: {  	[sflag:s8] =	ssyncset.s32 @!p0 $0xFFFFF086;
	s6 =	sadd.s32 @!p0 s3, s7;
	s7 =	simm.s32 @!p0 $0x108  }
0x21: {  	s3 =	sadd.s32 s3, s9;
	s6 =	sadd.s32 @!p0 $0x88, s6;
	s7 =	simm.s32 @p2 $0x1082  }
0x22: {  	[simem:s7], [sflag:s8] =	dma.local @!p0 [hbm:s6], $0xF7A  }
0x23: {  	s9 =	sor.u32 $0xD0000000, s2;
	s6 =	simm.s32 $0x108;
	_ =	swait.ge @!p0 [sflag:s8], $0x0  }
0x24: {  	s3 =	sadd.s32 $0x88, s3;
	s6 =	simm.s32 @!p1 $0x1082;
	[sflag:s4] =	ssyncset.s32 $0xFFFFF086  }
0x25: {  	[simem:s6], [sflag:s4] =	dma.local [hbm:s3], $0xF7A  }
0x26: {  	[smem:$0x3F98] =	sst s1;
	(tag) =	ssettag s2;
	_ =	strace s9  }
0x27: {  	s1 =	sld [smem:$0x3FA8]  }
0x28: {  	s2 =	sld [smem:$0x3FA9]  }
0x29: {  	s4 =	sld [smem:$0x3FAB]  }
0x2a: {  	p0 =	seq.s32 s5, $0x0;
	s5 =	sld [smem:$0x3FAC]  }
0x2b: {  	s6 =	sld [smem:$0x3FAD]  }
0x2c: {  	s7 =	sld [smem:$0x3FAE]  }
0x2d: {  	s3 =	simm.s32 $0x108;
	s8 =	sld [smem:$0x3FAF]  }
0x2e: {  	s3 =	simm.s32 @!p0 $0x1082;
	s9 =	sld [smem:$0x3FB0]  }
0x2f: {  	lr =	sadd.s32 s0, s3;
	s0 =	sld [smem:$0x3FA7]  }
0x30: {  	s3 =	sld [smem:$0x3FAA]  }
0x31: {  	[smem:$0x3FB3] =	sst s10  }
0x32: {  	s10 =	sld [smem:$0x3FB1];
	_ =	sdelay $0x3  }
0x33: {  	p0 =	seq.s32 s10, $0x1;
	s10 =	sld [smem:$0x3FB3];
	_ =	sdelay $0x3  }
0x34: {  	[smem:$0x3FB3] =	sst s10  }
0x35: {  	s10 =	sld [smem:$0x3FB2];
	_ =	sdelay $0x3  }
0x36: {  	p1 =	seq.s32 s10, $0x1;
	s10 =	sld [smem:$0x3FB3];
	_ =	sdelay $0x3  }
0x37: {  	[smem:$0x3FB3] =	sst s10  }
0x38: {  	s10 =	sld [smem:$0x3FB4]  }
0x39: {  	_ = 	snop;
	(pc) =	sbr.ind lr, $3  }
0x3a: {  	_ = 	snop  }
0x3b: {  	_ = 	snop  }
0x3c: {  	p2 =	seq.s32 s10, $0x1;
	s10 =	sld [smem:$0x3FB3]  }
0x3d: {  	_ =	shalt  }
0x3e: {  	_ =	shalt  }
0x3f: {  	_ =	shalt  }
0x40: {  	_ =	shalt  }
0x41: {  	_ =	shalt  }
0x42: {  	_ =	shalt  }
0x43: {  	_ =	shalt  }
0x44: {  	_ =	shalt  }
0x45: {  	_ =	shalt  }
0x46: {  	_ =	shalt  }
0x47: {  	_ =	shalt  }
0x48: {  	_ =	shalt  }
0x49: {  	_ =	shalt  }
0x4a: {  	_ =	shalt  }
0x4b: {  	_ =	shalt  }
0x4c: {  	_ =	shalt  }
0x4d: {  	_ =	shalt  }
0x4e: {  	_ =	shalt  }
0x4f: {  	_ =	shalt  }
0x50: {  	_ =	shalt  }
0x51: {  	_ =	shalt  }
0x52: {  	_ =	shalt  }
0x53: {  	_ =	shalt  }
0x54: {  	_ =	shalt  }
0x55: {  	_ =	shalt  }
0x56: {  	_ =	shalt  }
0x57: {  	_ =	shalt  }
0x58: {  	_ =	shalt  }
0x59: {  	_ =	shalt  }
0x5a: {  	_ =	shalt  }
0x5b: {  	_ =	shalt  }
0x5c: {  	_ =	shalt  }
0x5d: {  	_ =	shalt  }
0x5e: {  	_ =	shalt  }
0x5f: {  	_ =	shalt  }
0x60: {  	_ =	shalt  }
0x61: {  	_ =	shalt  }
0x62: {  	_ =	shalt  }
0x63: {  	_ =	shalt  }
0x64: {  	_ =	shalt  }
0x65: {  	_ =	shalt  }
0x66: {  	_ =	shalt  }
0x67: {  	_ =	shalt  }
0x68: {  	_ =	shalt  }
0x69: {  	_ =	shalt  }
0x6a: {  	_ =	shalt  }
0x6b: {  	_ =	shalt  }
0x6c: {  	_ =	shalt  }
0x6d: {  	_ =	shalt  }
0x6e: {  	_ =	shalt  }
0x6f: {  	_ =	shalt  }
0x70: {  	_ =	shalt  }
0x71: {  	_ =	shalt  }
0x72: {  	_ =	shalt  }
0x73: {  	_ =	shalt  }
0x74: {  	_ =	shalt  }
0x75: {  	_ =	shalt  }
0x76: {  	_ =	shalt  }
0x77: {  	_ =	shalt  }
0x78: {  	_ =	shalt  }
0x79: {  	_ =	shalt  }
0x7a: {  	_ =	shalt  }
0x7b: {  	_ =	shalt  }
0x7c: {  	_ =	shalt  }
0x7d: {  	_ =	shalt  }
0x7e: {  	_ =	shalt  }
0x7f: {  	_ =	shalt  }
0x80: {  	_ =	shalt  }
0x81: {  	_ =	shalt  }
0x82: {  	_ =	shalt  }
0x83: {  	_ =	shalt  }
0x84: {  	_ =	shalt  }
0x85: {  	_ =	shalt  }
0x86: {  	_ =	shalt  }
0x87: {  	_ =	shalt  }
.Lfunc_end0:
.L_simem_size_0:
called_computation_lowered:
.L_overlay_start_0:
0x88: {  	s2 =	sld [smem:$0x3FD9]  }
0x89: {  	s3 =	sld [smem:$0x3FFE];
	_ =	sdelay $0x1  }
0x8a: {  	s1 =	srdreg.scid  }
0x8b: {  	s0 =	sand.u32 $0x1, s1  }
0x8c: {  	s14 =	sshll.u32 s0, $0xA;
	s2 =	sadd.s32 s3, s2  }
0x8d: {  	s2 =	sadd.s32 s2, s14  }
0x8e: {  	[smem:$0x3FBF] =	sst s2  }
0x8f: {  	_ = 	snop  }
0x90: {  	s2 =	sld [smem:$0x3FD0];
	_ =	sdelay $0x2  }
0x91: {  	s4 =	simm.s32 $0xA;
	s5 =	simm.s32 $0x10;
	s15 =	sld [smem:$0x3FC9]  }
0x92: {  	[smem:s5], [sflag:s4] =	dma.local [hbm:s2], $0x1  }
0x93: {  	_ =	swait.eq [sflag:s4], $0x1  }
0x94: {  	[sflag:s4] =	ssyncset.done $0x0  }
0x95: {  	[sflag:s4] =	ssyncadd.s32 $0xFFFFFFFF  }
0x96: {  	s16 =	sld [smem:$0x11];
	(tm) =	ssettm $0x1  }
0x97: {  	s17 =	sld [smem:$0x3FFB];
	_ =	sdelay $0x3  }
0x98: {  	_ =	strace s17  }
0x99: {  	s4 =	sld [smem:$0x3FFC];
	_ =	sdelay $0x3  }
0x9a: {  	_ =	strace s4  }
0x9b: {  	s4 =	sld [smem:$0x3FFD];
	_ =	sdelay $0x3  }
0x9c: {  	_ =	strace s4  }
0x9d: {  	_ =	strace $0x8FFFFFFF  }
0x9e: {  	s18 =	sld [smem:$0x3FDB];
	_ =	sdelay $0x1  }
0x9f: {  	s19 =	simm.s32 $_scs_section_size  }
0xa0: {  	s6 =	simm.s32 $_size__tile_overlayer_lowered;
	s7 =	simm.s32 $_tile_overlayer_lowered  }
0xa1: {  	s22 =	simm.s32 $0x1BFF;
	s21 =	sshll.u32 s7, $0x1;
	s4 =	sadd.s32 s19, s18  }
0xa2: {  	s8 =	simm.s32 $0x0;
	s20 =	sshll.u32 s6, $0x1;
	s6 =	sadd.s32 s21, s4  }
0xa3: {  	[timem:s8], [sflag:s22] =	dma.local [hbm:s6], s20  }
0xa4: {  	_ =	swait.ge [sflag:s22], s20  }
0xa5: {  	s5 =	ssub.s32 $0x0, s20;
	[sflag:s22] =	ssyncset.done $0x0  }
0xa6: {  	[sflag:s22] =	ssyncadd.s32 s5;
	_ =	sdelay $0x1  }
0xa7: {  	s23 =	simm.s32 $0x1B8B  }
0xa8: {  	_ =	swait.ge [sflag:s23], $0x1  }
0xa9: {  	[sflag:s23] =	ssyncset.done $0x0  }
0xaa: {  	s25 =	simm.s32 $0x1B8E;
	s24 =	sld [smem:$0x3FFE];
	[sflag:s23] =	ssyncadd.s32 $0xFFFFFFFF  }
0xab: {  	s26 =	simm.s32 $execute0_lowered;
	[smem:$0x3FD2] =	sst s25  }
0xac: {  	s6 =	sshll.u32 s26, $0x1;
	_ =	strace $0x80000046;
	[dreg:$0x1] =	wrdreg $0xFFFFFFFF  }
0xad: {  	s28 =	simm.s32 $_size_execute0_lowered;
	s4 =	sadd.s32 s4, s6;
	[dreg:$0x0] =	wrdreg $0x0  }
0xae: {  	s6 =	sshll.u32 s28, $0x1;
	[dreg:$0x2] =	wrdreg s4  }
0xaf: {  	[dreg:$0x3] =	wrdreg s6  }
0xb0: {  	[dreg:$0x4] =	wrdreg $0xC0  }
0xb1: {  	_ =	task [dreg:s8], $0x5FFFF  }
0xb2: {  	[dreg:$0x1] =	wrdreg $0xFFFFFFFF  }
0xb3: {  	[dreg:$0x0] =	wrdreg $0x60  }
0xb4: {  	[dreg:$0x2] =	wrdreg s15  }
0xb5: {  	[dreg:$0x3] =	wrdreg s16  }
0xb6: {  	[dreg:$0x4] =	wrdreg s24  }
0xb7: {  	[dreg:$0x5] =	wrdreg $0x9  }
0xb8: {  	_ =	task.clear_ibuf [dreg:s8], $0x6FFFF;
	_ =	strace $0x90000046  }
0xb9: {  	s29 =	simm.s32 $0x9;
	_ =	strace $0x80000048  }
0xba: {  	_ =	swait.ge [sflag:s29], $0x1  }
0xbb: {  	[sflag:s29] =	ssyncadd.s32 $0xFFFFFFFF  }
0xbc: {  	_ =	strace $0x90000048  }
0xbd: {  	_ =	sfence  }
0xbe: {  	s30 =	sld [smem:$0x0];
	_ =	sdelay $0x2  }
0xbf: {  	s31 =	sshll.u32 s1, $0xD;
	s1 =	sshrl.u32 s1, $0x2  }
0xc0: {  	s3 =	sand.u32 $0x4000, s31;
	s1 =	sadd.s32 s1, s30  }
0xc1: {  	s0 =	sor.u32 s3, s0;
	s1 =	sshll.u32 s1, $0x11  }
0xc2: {  	s0 =	sor.u32 s1, s0  }
0xc3: {  	s0 =	sadd.s32 $0x8F2B, s0  }
0xc4: {  	[sflag:s0] =	ssyncadd.remote.s32 $0x1  }
0xc5: {  	_ =	sfence.sel $0xFFFF  }
0xc6: {  	[dreg:$0x0] =	wrdreg $0xFFFFFFFF;
	(pc) =	sbr.abs _section_cstart, $3  }
0xc7: {  	[dreg:$0x1] =	wrdreg $0xFFFFFFFF  }
0xc8: {  	_ =	task.clear_ibuf [dreg:s8], $0x2FFFF;
	_ =	strace $0x9FFFFFFF  }
0xc9: {  	(tm) =	ssettm $0x7FFFFFFF  }
tec
execute0_lowered:
.L_overlay_start_1:
0x0: {  	(tag) =	ssettag $0x1  }
0x1: {  	s2 =	rddreg [dreg:$0x0]  }
0x2: {  	s4 =	rddreg [dreg:$0x1];
	s0 =	srdreg.scid  }
0x3: {  	s8 =	rddreg [dreg:$0x2];
	s1 =	stileid.u32;
	s3 =	simm.s32 $0x0  }
0x4: {  	s11 =	simm.s32 $0x80;
	s12 =	simm.s32 $0x880;
	s13 =	simm.s32 $0x1080  }
0x5: {  	s14 =	simm.s32 $0x1880;
	s15 =	simm.s32 $0x2080;
	s16 =	simm.s32 $0x2880  }
0x6: {  	s17 =	simm.s32 $0x3080;
	s18 =	simm.s32 $0x3880;
	s19 =	simm.s32 $0x4080  }
0x7: {  	s20 =	simm.s32 $0x4880;
	s21 =	simm.s32 $0x5080;
	s22 =	simm.s32 $0x5880  }
0x8: {  	s23 =	simm.s32 $0x6080;
	s24 =	simm.s32 $0x6880;
	s25 =	simm.s32 $0x7080  }
0x9: {  	s26 =	simm.s32 $0x7880;
	s5 =	sand.u32 $0x1, s0;
	s0 =	rddreg [dreg:$0x3]  }
0xa: {  	s28 =	simm.s32 $0x1;
	s6 =	sshll.u32 s1, $0x6;
	[smem:$0x7FF] =	sst s3  }
0xb: {  	s7 =	sshll.u32 s5, $0x5;
	s5 =	ssub.s32 $0x2, s5;
	_ =	strace $0x80000047  }
0xc: {  	s7 =	sor.u32 s7, s6;
	s30 =	sshrl.u32 s5, $0x1;
	s6 =	sadd.s32 $0x200, s2  }
0xd: {  	v2 =	vlaneseq.u32;
	s9 =	sshrl.u32 s7, $0x3;
	s10 =	ssub.s32 s5, s30;
	s5 =	sadd.s32 $0x100, s2  }
0xe: {  	vm0 =	vmmov $0xffff;
	v1 =	vshrl.u32 v2, $0x3;
	s31 =	sshll.u32 s7, $0x7;
	s7 =	sadd.s32 $0x300, s2;
	s4 =	sadd.s32 s4, s9  }
0xf: {  	v0 =	vand.u32 $0x7, v2;
	v2 =	vor.u32 $0x8, v2;
	v1 =	vmul.u32 $0x8, v1;
	s8 =	sadd.s32 s8, s31;
	s9 =	smax.u32 s10, $0x1;
	s10 =	simm.s32 $0x2  }
.LBB2_1:
0x10: {  	[tilespmem:s3], [sflag:$0x2] =	stream.linear.gather [hbm4b:s4+s3], $0x20, $0x38;
	[tilespmem:$0x8080] =	vst v63  }
0x11: {  	_ =	swait.ge [sflag:s10], $0x20  }
0x12: {  	[sflag:s10] =	ssyncset.done $0x0  }
0x13: {  	[sflag:s10] =	ssyncadd.s32 $0xFFFFFFE0  }
0x14: {  	v3 =	vld [tilespmem:$0x0];
	_ =	sdelay $0x4  }
0x15: {  	v4 =	vshll.u32 v3, $0x3  }
0x16: {  	v3 =	vand.u32 $0x7, v3;
	v4 =	vand.u32 $0xFFFFFFC0, v4  }
0x17: {  	v3 =	vor.u32 v3, v4  }
0x18: {  	v4 =	vperm.xlane v3, v0;
	_ =	sdelay $0x1  }
0x19: {  	v4 =	vadd.s32 v1, v4;
	_ =	sdelay $0x4  }
0x1a: {  	[tilespmem:s11], [sflag:$0x1] =	stream.indirect_vreg.gather [hbm4b:s2+s3], $0x80, v4, vm0, $0xb8;
	[tilespmem:$0x8080] =	vst v63  }
0x1b: {  	v3 =	vperm.xlane v3, v2  }
0x1c: {  	[tilespmem:s12], [sflag:$0x1] =	stream.indirect_vreg.gather [hbm4b:s5+s3], $0x80, v4, vm0, $0xb8;
	[tilespmem:$0x8080] =	vst v63  }
0x1d: {  	v3 =	vadd.s32 v1, v3  }
0x1e: {  	[tilespmem:s13], [sflag:$0x1] =	stream.indirect_vreg.gather [hbm4b:s6+s3], $0x80, v4, vm0, $0xb8;
	[tilespmem:$0x8080] =	vst v63  }
0x1f: {  	_ = 	snop  }
0x20: {  	[tilespmem:s14], [sflag:$0x1] =	stream.indirect_vreg.gather [hbm4b:s7+s3], $0x80, v4, vm0, $0xb8;
	[tilespmem:$0x8080] =	vst v63  }
0x21: {  	_ = 	snop  }
0x22: {  	[tilespmem:s15], [sflag:$0x1] =	stream.indirect_vreg.gather [hbm4b:s2+s3], $0x80, v3, vm0, $0xb8;
	[tilespmem:$0x8080] =	vst v63  }
0x23: {  	_ = 	snop  }
0x24: {  	[tilespmem:s16], [sflag:$0x1] =	stream.indirect_vreg.gather [hbm4b:s5+s3], $0x80, v3, vm0, $0xb8;
	[tilespmem:$0x8080] =	vst v63  }
0x25: {  	_ = 	snop  }
0x26: {  	[tilespmem:s17], [sflag:$0x1] =	stream.indirect_vreg.gather [hbm4b:s6+s3], $0x80, v3, vm0, $0xb8;
	[tilespmem:$0x8080] =	vst v63  }
0x27: {  	_ = 	snop  }
0x28: {  	[tilespmem:s18], [sflag:$0x1] =	stream.indirect_vreg.gather [hbm4b:s7+s3], $0x80, v3, vm0, $0xb8;
	[tilespmem:$0x8080] =	vst v63  }
0x29: {  	v3 =	vld [tilespmem:$0x10];
	_ =	sdelay $0x4  }
0x2a: {  	v63 =	vshll.u32 v3, $0x3  }
0x2b: {  	v3 =	vand.u32 $0x7, v3;
	v4 =	vand.u32 $0xFFFFFFC0, v63  }
0x2c: {  	v3 =	vor.u32 v3, v4  }
0x2d: {  	v4 =	vperm.xlane v3, v0;
	_ =	sdelay $0x1  }
0x2e: {  	v4 =	vadd.s32 v1, v4;
	_ =	sdelay $0x4  }
0x2f: {  	[tilespmem:s19], [sflag:$0x1] =	stream.indirect_vreg.gather [hbm4b:s2+s3], $0x80, v4, vm0, $0xb8;
	[tilespmem:$0x8080] =	vst v63  }
0x30: {  	v3 =	vperm.xlane v3, v2  }
0x31: {  	[tilespmem:s20], [sflag:$0x1] =	stream.indirect_vreg.gather [hbm4b:s5+s3], $0x80, v4, vm0, $0xb8;
	[tilespmem:$0x8080] =	vst v63  }
0x32: {  	v3 =	vadd.s32 v1, v3  }
0x33: {  	[tilespmem:s21], [sflag:$0x1] =	stream.indirect_vreg.gather [hbm4b:s6+s3], $0x80, v4, vm0, $0xb8;
	[tilespmem:$0x8080] =	vst v63  }
0x34: {  	_ = 	snop  }
0x35: {  	[tilespmem:s22], [sflag:$0x1] =	stream.indirect_vreg.gather [hbm4b:s7+s3], $0x80, v4, vm0, $0xb8;
	[tilespmem:$0x8080] =	vst v63  }
0x36: {  	_ = 	snop  }
0x37: {  	[tilespmem:s23], [sflag:$0x1] =	stream.indirect_vreg.gather [hbm4b:s2+s3], $0x80, v3, vm0, $0xb8;
	[tilespmem:$0x8080] =	vst v63  }
0x38: {  	_ = 	snop  }
0x39: {  	[tilespmem:s24], [sflag:$0x1] =	stream.indirect_vreg.gather [hbm4b:s5+s3], $0x80, v3, vm0, $0xb8;
	[tilespmem:$0x8080] =	vst v63  }
0x3a: {  	_ = 	snop  }
0x3b: {  	[tilespmem:s25], [sflag:$0x1] =	stream.indirect_vreg.gather [hbm4b:s6+s3], $0x80, v3, vm0, $0xb8;
	[tilespmem:$0x8080] =	vst v63  }
0x3c: {  	_ = 	snop  }
0x3d: {  	[tilespmem:s26], [sflag:$0x1] =	stream.indirect_vreg.gather [hbm4b:s7+s3], $0x80, v3, vm0, $0xb8;
	[tilespmem:$0x8080] =	vst v63  }
0x3e: {  	_ =	swait.ge [sflag:s28], $0x8000  }
0x3f: {  	p0 =	sne.s32 s9, $0x1;
	[sflag:s28] =	ssyncset.done $0x0  }
.Ltmp0:
0x40: {  	[sflag:s28] =	ssyncadd.s32 $0xFFFF8000;
	(pc) =	sbr.rel @p0 .LBB2_1-.Ltmp0, $4  }
0x41: {  	[hbm4b:s8+s3] =	stream.linear.scatter [tilespmem:s11], [sflag:$0x2], $0x8000, $0x38;
	[tilespmem:$0x8080] =	vst v63  }
0x42: {  	_ =	swait.ge [sflag:s10], $0x8000  }
0x43: {  	[sflag:s10] =	ssyncset.done $0x0  }
0x44: {  	s9 =	sadd.s32 $0xFFFFFFFF, s9;
	[sflag:s10] =	ssyncadd.s32 $0xFFFF8000  }
0x45: {  	_ =	sfence.sel $0x180000  }
0x46: {  	[bflag:$0x0] =	sbarrier.arrive $0xFFFF  }
0x47: {  	p0 =	sne.s32 s1, $0x0;
	_ =	strace $0x90000047  }
0x48: {  	s0 =	sadd.s32 @!p0 $0x100000, s0;
	[bflag:$0x2] =	sbarrier.arrive $0xFFFF  }
0x49: {  	[sflag:s0] =	ssyncadd.tile.s32 @!p0 $0x1;
	_ =	shalt  }
.Lfunc_end2:
_tile_overlayer_lowered:
.L_overlay_start_2:
0x4a: {  	(tag) =	ssettag $0x2  }
0x4b: {  	s0 =	rddreg [dreg:$0x0];
	s2 =	stileid.u32  }
0x4c: {  	s1 =	rddreg [dreg:$0x1];
	p0 =	sne.s32 s2, $0x0  }
0x4d: {  	s3 =	rddreg [dreg:$0x2];
	[bflag:$0x3] =	sbarrier.arrive $0xFFFF;
	s2 =	simm.s32 @!p0 $0x1C02  }
0x4e: {  	[timem:s3], [sflag:s2] =	dma.local @!p0 [hbm:s0], s1  }
0x4f: {  	s0 =	simm.s32 @!p0 $0x2  }
0x50: {  	_ =	swait.ge @!p0 [sflag:s0], s1  }
0x51: {  	s1 =	ssub.s32 @!p0 $0x0, s1;
	[sflag:s0] =	ssyncset.done @!p0 $0x0  }
0x52: {  	[sflag:s0] =	ssyncadd.s32 @!p0 s1  }
0x53: {  	[bflag:$0x3] =	sbarrier.arrive $0xFFFF  }
0x54: {  	_ =	shalt  }

</sc_bundles>
